<compile_context>
chip_gen: v7x
topology: tpu7x:2x2x1
jax: 0.10.2.dev20260603
libtpu: 0.0.44.dev20260713+nightly
codegen_flags: <defaults>
</compile_context>

<pallas_src>
import functools

import jax
import jax.numpy as jnp
from jax import lax
from jax.experimental import pallas as pl
from jax.experimental.pallas import tpu as pltpu
from jax.experimental.pallas import tpu_sc as plsc

D = 16
OUT = 2
L = 16
NC, NS = 2, 16
NW = NC * NS
B = 16384
BPW = B // NW
CHUNK = 512
NCHUNK = BPW // CHUNK
GROUPS = BPW // L
V = 1_000_000
VP = 1_000_064
BAND = (VP // 128) * 1024
NWORDS = 2 * BAND


def _tok_router(tok_hbm, tab_hbm, wb_hbm, out_hbm,
                tok_v, base_v, rows_v, wb_v, out_v, sem):
    wid = lax.axis_index("s") * NC + lax.axis_index("c")
    base = wid * BPW

    pltpu.sync_copy(tok_hbm.at[pl.ds(base, BPW)], tok_v)
    pltpu.sync_copy(wb_hbm, wb_v)

    for g in range(GROUPS):
        o = g * L
        t = tok_v[pl.ds(o, L)]
        base_v[pl.ds(o, L)] = (
            lax.shift_left(lax.shift_right_logical(t, 7), 10)
            + lax.bitwise_and(t, 127))

    copies = []
    for k in range(D):
        c1 = (k // 8) * BAND + (k % 8) * 128
        src = tab_hbm.at[pl.ds(c1, NWORDS - c1)]
        for c in range(NCHUNK):
            copies.append(pltpu.async_copy(
                src.at[base_v.at[pl.ds(c * CHUNK, CHUNK)]],
                rows_v.at[pl.ds(k * BPW + c * CHUNK, CHUNK)], sem))
    for cp in copies:
        cp.wait()

    w_splat = [[wb_v[pl.ds((k * OUT + j) * L, L)] for j in range(OUT)]
               for k in range(D)]
    b_splat = [wb_v[pl.ds((D * OUT + j) * L, L)] for j in range(OUT)]

    def group_body(g, carry):
        o = g * L
        acc0 = b_splat[0]
        acc1 = b_splat[1]
        for k in range(D):
            v = rows_v[pl.ds(k * BPW + o, L)]
            acc0 = acc0 + v * w_splat[k][0]
            acc1 = acc1 + v * w_splat[k][1]
        out_v[pl.ds(o, L)] = acc0
        out_v[pl.ds(BPW + o, L)] = acc1
        return carry

    lax.fori_loop(0, GROUPS, group_body, 0)

    pltpu.sync_copy(out_v.at[pl.ds(0, BPW)], out_hbm.at[0, pl.ds(base, BPW)])
    pltpu.sync_copy(out_v.at[pl.ds(BPW, BPW)], out_hbm.at[1, pl.ds(base, BPW)])


def kernel(ids, table, W, b):
    tok = ids.T[0].astype(jnp.int32)

    tableT = table.T
    padded = jnp.pad(tableT, ((0, 0), (0, VP - V)))
    flat = (padded.reshape(2, 8, VP // 128, 128)
            .transpose(0, 2, 1, 3)
            .reshape(NWORDS))

    wb = jnp.broadcast_to(
        jnp.concatenate([W.reshape(-1).astype(jnp.float32),
                         b.astype(jnp.float32)])[:, None],
        (D * OUT + OUT, 16)).reshape(-1)

    mesh = plsc.VectorSubcoreMesh(core_axis_name="c", subcore_axis_name="s")
    fn = functools.partial(
        pl.kernel,
        mesh=mesh,
        compiler_params=pltpu.CompilerParams(use_tc_tiling_on_sc=False,
                                             needs_layout_passes=False),
        out_type=jax.ShapeDtypeStruct((OUT, B), jnp.float32),
        scratch_types=[
            pltpu.VMEM((BPW,), jnp.int32),
            pltpu.VMEM((BPW,), jnp.int32),
            pltpu.VMEM((D * BPW,), jnp.float32),
            pltpu.VMEM(((D * OUT + OUT) * 16,), jnp.float32),
            pltpu.VMEM((OUT * BPW,), jnp.float32),
            pltpu.SemaphoreType.DMA,
        ],
    )(_tok_router)
    return fn(tok, flat, wb).T

# --- scband reference (transcript-rebuilt; emitter-appended) ---
"""Pipeline reference for scband-token-router-15470472200399 (READ-ONLY COPY).

The authoritative reference and input builder live on the scoring server;
editing this copy changes nothing except your own understanding.
"""

import jax, jax.numpy as jnp
import numpy as np

VOCAB = 1000000
EMBED_DIM = 16
BATCH = 16384
HIST = 20

def setup_inputs(seed: int = 0) -> dict:
    key = jax.random.key(seed)
    k_ids, k_tab, k_w, k_b = jax.random.split(key, 4)
    ids = jax.random.randint(k_ids, (BATCH, HIST), 0, VOCAB, dtype=jnp.int64 if jax.config.jax_enable_x64 else jnp.int32)
    table = jax.random.normal(k_tab, (VOCAB, EMBED_DIM), dtype=jnp.float32)
    W = jax.random.normal(k_w, (EMBED_DIM, 2), dtype=jnp.float32) * (1.0 / np.sqrt(EMBED_DIM))
    b = jnp.zeros((2,), dtype=jnp.float32)
    return {"ids": ids, "table": table, "W": W, "b": b}

def reference(ids, table, W, b):
    # h = token_emb(ids[:, 0])
    h = jnp.take(table, ids[:, 0], axis=0)
    # fc(h)
    return h @ W + b

if __name__ == "__main__":
    import jax
    _d = setup_inputs()
    print(jax.jit(kernel)(*tuple(_d.values())))

</pallas_src>

<mosaic_0001>
#map = affine_map<(d0, d1) -> (0)>
#map1 = affine_map<(d0, d1) -> (0, 0)>
module attributes {stable_mosaic.version = 14 : i64} {
  func.func @_tok_router(%arg0: i32, %arg1: i32, %arg2: memref<16384xi32, #tpu.memory_space<hbm>>, %arg3: memref<16001024xf32, #tpu.memory_space<hbm>>, %arg4: memref<544xf32, #tpu.memory_space<hbm>>, %arg5: memref<2x16384xf32, #tpu.memory_space<hbm>>, %arg6: memref<512xi32, #tpu.memory_space<vmem>>, %arg7: memref<512xi32, #tpu.memory_space<vmem>>, %arg8: memref<8192xf32, #tpu.memory_space<vmem>>, %arg9: memref<544xf32, #tpu.memory_space<vmem>>, %arg10: memref<1024xf32, #tpu.memory_space<vmem>>, %arg11: memref<!tpu.dma_semaphore, #tpu.memory_space<semaphore_mem>>) attributes {dimension_semantics = [#tpu.dimension_semantics<core_parallel>, #tpu.dimension_semantics<subcore_parallel>], iteration_bounds = array<i64: 2, 16>, scalar_prefetch = 0 : i64, scratch_operands = 6 : i64, tpu.core_type = #tpu.core_type<sc_vector_subcore>, window_params = [{transform_indices = #map}, {transform_indices = #map}, {transform_indices = #map}, {transform_indices = #map1}]} {
    %mul3A = arith.constant 2 : i32
    %mul3A_0 = arith.muli %arg1, %mul3A : i32
    %add3A = arith.addi %mul3A_0, %arg0 : i32
    %mul3A_1 = arith.constant 512 : i32
    %mul3A_2 = arith.muli %add3A, %mul3A_1 : i32
    "tpu.region"() ({
      %run_scoped3A_774 = tpu.sem_alloc : memref<!tpu.dma_semaphore, #tpu.memory_space<semaphore_mem>>
      %dma_start3A_775 = tpu.memref_slice %arg2[%mul3A_2] : memref<16384xi32, #tpu.memory_space<hbm>> -> memref<512xi32, #tpu.memory_space<hbm>>
      %dma_start3A_776 = tpu.memref_slice %arg2[%mul3A_2] : memref<16384xi32, #tpu.memory_space<hbm>> -> memref<512xi32, #tpu.memory_space<hbm>>
      tpu.enqueue_dma source(%dma_start3A_776 : memref<512xi32, #tpu.memory_space<hbm>>) target(%arg6 : memref<512xi32, #tpu.memory_space<vmem>>) target_semaphore(%run_scoped3A_774 : memref<!tpu.dma_semaphore, #tpu.memory_space<semaphore_mem>>)
      %dma_wait3A_777 = tpu.memref_slice %arg2[%mul3A_2] : memref<16384xi32, #tpu.memory_space<hbm>> -> memref<512xi32, #tpu.memory_space<hbm>>
      %dma_wait3A_778 = tpu.memref_slice %arg2[%mul3A_2] : memref<16384xi32, #tpu.memory_space<hbm>> -> memref<512xi32, #tpu.memory_space<hbm>>
      tpu.wait_dma2 semaphore(%run_scoped3A_774 : memref<!tpu.dma_semaphore, #tpu.memory_space<semaphore_mem>>) src(%dma_wait3A_778 : memref<512xi32, #tpu.memory_space<hbm>>) dst(%arg6 : memref<512xi32, #tpu.memory_space<vmem>>)
      tpu.yield
    }) : () -> ()
    "tpu.region"() ({
      %run_scoped3A_774 = tpu.sem_alloc : memref<!tpu.dma_semaphore, #tpu.memory_space<semaphore_mem>>
      tpu.enqueue_dma source(%arg4 : memref<544xf32, #tpu.memory_space<hbm>>) target(%arg9 : memref<544xf32, #tpu.memory_space<vmem>>) target_semaphore(%run_scoped3A_774 : memref<!tpu.dma_semaphore, #tpu.memory_space<semaphore_mem>>)
      tpu.wait_dma2 semaphore(%run_scoped3A_774 : memref<!tpu.dma_semaphore, #tpu.memory_space<semaphore_mem>>) src(%arg4 : memref<544xf32, #tpu.memory_space<hbm>>) dst(%arg9 : memref<544xf32, #tpu.memory_space<vmem>>)
      tpu.yield
    }) : () -> ()
    %get3A = arith.constant 0 : index
    %get3A_3 = tpu.vector_load %arg6[%get3A] {strides = array<i32>} : memref<512xi32, #tpu.memory_space<vmem>>, vector<16xi32>,
    %shift_right_logical3A = arith.constant 7 : i32
    %shift_right_logical3A_4 = vector.broadcast %shift_right_logical3A : i32 to vector<16xi32>
    %shift_right_logical3A_5 = arith.shrui %get3A_3, %shift_right_logical3A_4 : vector<16xi32>
    %shift_left3A = arith.constant 10 : i32
    %shift_left3A_6 = vector.broadcast %shift_left3A : i32 to vector<16xi32>
    %shift_left3A_7 = arith.shli %shift_right_logical3A_5, %shift_left3A_6 : vector<16xi32>
    %and3A = arith.constant 127 : i32
    %and3A_8 = vector.broadcast %and3A : i32 to vector<16xi32>
    %and3A_9 = arith.andi %get3A_3, %and3A_8 : vector<16xi32>
    %add3A_10 = arith.addi %shift_left3A_7, %and3A_9 : vector<16xi32>
    %swap3A = arith.constant 0 : index
    %swap3A_11 = tpu.vector_load %arg7[%swap3A] {strides = array<i32>} : memref<512xi32, #tpu.memory_space<vmem>>, vector<16xi32>,
    tpu.vector_store %arg7[%swap3A], %add3A_10 {strides = array<i32>} : memref<512xi32, #tpu.memory_space<vmem>>, vector<16xi32>,
    %get3A_12 = arith.constant 16 : index
    %get3A_13 = tpu.vector_load %arg6[%get3A_12] {strides = array<i32>} : memref<512xi32, #tpu.memory_space<vmem>>, vector<16xi32>,
    %shift_right_logical3A_14 = arith.constant 7 : i32
    %shift_right_logical3A_15 = vector.broadcast %shift_right_logical3A_14 : i32 to vector<16xi32>
    %shift_right_logical3A_16 = arith.shrui %get3A_13, %shift_right_logical3A_15 : vector<16xi32>
    %shift_left3A_17 = arith.constant 10 : i32
    %shift_left3A_18 = vector.broadcast %shift_left3A_17 : i32 to vector<16xi32>
    %shift_left3A_19 = arith.shli %shift_right_logical3A_16, %shift_left3A_18 : vector<16xi32>
    %and3A_20 = arith.constant 127 : i32
    %and3A_21 = vector.broadcast %and3A_20 : i32 to vector<16xi32>
    %and3A_22 = arith.andi %get3A_13, %and3A_21 : vector<16xi32>
    %add3A_23 = arith.addi %shift_left3A_19, %and3A_22 : vector<16xi32>
    %swap3A_24 = arith.constant 16 : index
    %swap3A_25 = tpu.vector_load %arg7[%swap3A_24] {strides = array<i32>} : memref<512xi32, #tpu.memory_space<vmem>>, vector<16xi32>,
    tpu.vector_store %arg7[%swap3A_24], %add3A_23 {strides = array<i32>} : memref<512xi32, #tpu.memory_space<vmem>>, vector<16xi32>,
    %get3A_26 = arith.constant 32 : index
    %get3A_27 = tpu.vector_load %arg6[%get3A_26] {strides = array<i32>} : memref<512xi32, #tpu.memory_space<vmem>>, vector<16xi32>,
    %shift_right_logical3A_28 = arith.constant 7 : i32
    %shift_right_logical3A_29 = vector.broadcast %shift_right_logical3A_28 : i32 to vector<16xi32>
    %shift_right_logical3A_30 = arith.shrui %get3A_27, %shift_right_logical3A_29 : vector<16xi32>
    %shift_left3A_31 = arith.constant 10 : i32
    %shift_left3A_32 = vector.broadcast %shift_left3A_31 : i32 to vector<16xi32>
    %shift_left3A_33 = arith.shli %shift_right_logical3A_30, %shift_left3A_32 : vector<16xi32>
    %and3A_34 = arith.constant 127 : i32
    %and3A_35 = vector.broadcast %and3A_34 : i32 to vector<16xi32>
    %and3A_36 = arith.andi %get3A_27, %and3A_35 : vector<16xi32>
    %add3A_37 = arith.addi %shift_left3A_33, %and3A_36 : vector<16xi32>
    %swap3A_38 = arith.constant 32 : index
    %swap3A_39 = tpu.vector_load %arg7[%swap3A_38] {strides = array<i32>} : memref<512xi32, #tpu.memory_space<vmem>>, vector<16xi32>,
    tpu.vector_store %arg7[%swap3A_38], %add3A_37 {strides = array<i32>} : memref<512xi32, #tpu.memory_space<vmem>>, vector<16xi32>,
    %get3A_40 = arith.constant 48 : index
    %get3A_41 = tpu.vector_load %arg6[%get3A_40] {strides = array<i32>} : memref<512xi32, #tpu.memory_space<vmem>>, vector<16xi32>,
    %shift_right_logical3A_42 = arith.constant 7 : i32
    %shift_right_logical3A_43 = vector.broadcast %shift_right_logical3A_42 : i32 to vector<16xi32>
    %shift_right_logical3A_44 = arith.shrui %get3A_41, %shift_right_logical3A_43 : vector<16xi32>
    %shift_left3A_45 = arith.constant 10 : i32
    %shift_left3A_46 = vector.broadcast %shift_left3A_45 : i32 to vector<16xi32>
    %shift_left3A_47 = arith.shli %shift_right_logical3A_44, %shift_left3A_46 : vector<16xi32>
    %and3A_48 = arith.constant 127 : i32
    %and3A_49 = vector.broadcast %and3A_48 : i32 to vector<16xi32>
    %and3A_50 = arith.andi %get3A_41, %and3A_49 : vector<16xi32>
    %add3A_51 = arith.addi %shift_left3A_47, %and3A_50 : vector<16xi32>
    %swap3A_52 = arith.constant 48 : index
    %swap3A_53 = tpu.vector_load %arg7[%swap3A_52] {strides = array<i32>} : memref<512xi32, #tpu.memory_space<vmem>>, vector<16xi32>,
    tpu.vector_store %arg7[%swap3A_52], %add3A_51 {strides = array<i32>} : memref<512xi32, #tpu.memory_space<vmem>>, vector<16xi32>,
    %get3A_54 = arith.constant 64 : index
    %get3A_55 = tpu.vector_load %arg6[%get3A_54] {strides = array<i32>} : memref<512xi32, #tpu.memory_space<vmem>>, vector<16xi32>,
    %shift_right_logical3A_56 = arith.constant 7 : i32
    %shift_right_logical3A_57 = vector.broadcast %shift_right_logical3A_56 : i32 to vector<16xi32>
    %shift_right_logical3A_58 = arith.shrui %get3A_55, %shift_right_logical3A_57 : vector<16xi32>
    %shift_left3A_59 = arith.constant 10 : i32
    %shift_left3A_60 = vector.broadcast %shift_left3A_59 : i32 to vector<16xi32>
    %shift_left3A_61 = arith.shli %shift_right_logical3A_58, %shift_left3A_60 : vector<16xi32>
    %and3A_62 = arith.constant 127 : i32
    %and3A_63 = vector.broadcast %and3A_62 : i32 to vector<16xi32>
    %and3A_64 = arith.andi %get3A_55, %and3A_63 : vector<16xi32>
    %add3A_65 = arith.addi %shift_left3A_61, %and3A_64 : vector<16xi32>
    %swap3A_66 = arith.constant 64 : index
    %swap3A_67 = tpu.vector_load %arg7[%swap3A_66] {strides = array<i32>} : memref<512xi32, #tpu.memory_space<vmem>>, vector<16xi32>,
    tpu.vector_store %arg7[%swap3A_66], %add3A_65 {strides = array<i32>} : memref<512xi32, #tpu.memory_space<vmem>>, vector<16xi32>,
    %get3A_68 = arith.constant 80 : index
    %get3A_69 = tpu.vector_load %arg6[%get3A_68] {strides = array<i32>} : memref<512xi32, #tpu.memory_space<vmem>>, vector<16xi32>,
    %shift_right_logical3A_70 = arith.constant 7 : i32
    %shift_right_logical3A_71 = vector.broadcast %shift_right_logical3A_70 : i32 to vector<16xi32>
    %shift_right_logical3A_72 = arith.shrui %get3A_69, %shift_right_logical3A_71 : vector<16xi32>
    %shift_left3A_73 = arith.constant 10 : i32
    %shift_left3A_74 = vector.broadcast %shift_left3A_73 : i32 to vector<16xi32>
    %shift_left3A_75 = arith.shli %shift_right_logical3A_72, %shift_left3A_74 : vector<16xi32>
    %and3A_76 = arith.constant 127 : i32
    %and3A_77 = vector.broadcast %and3A_76 : i32 to vector<16xi32>
    %and3A_78 = arith.andi %get3A_69, %and3A_77 : vector<16xi32>
    %add3A_79 = arith.addi %shift_left3A_75, %and3A_78 : vector<16xi32>
    %swap3A_80 = arith.constant 80 : index
    %swap3A_81 = tpu.vector_load %arg7[%swap3A_80] {strides = array<i32>} : memref<512xi32, #tpu.memory_space<vmem>>, vector<16xi32>,
    tpu.vector_store %arg7[%swap3A_80], %add3A_79 {strides = array<i32>} : memref<512xi32, #tpu.memory_space<vmem>>, vector<16xi32>,
    %get3A_82 = arith.constant 96 : index
    %get3A_83 = tpu.vector_load %arg6[%get3A_82] {strides = array<i32>} : memref<512xi32, #tpu.memory_space<vmem>>, vector<16xi32>,
    %shift_right_logical3A_84 = arith.constant 7 : i32
    %shift_right_logical3A_85 = vector.broadcast %shift_right_logical3A_84 : i32 to vector<16xi32>
    %shift_right_logical3A_86 = arith.shrui %get3A_83, %shift_right_logical3A_85 : vector<16xi32>
    %shift_left3A_87 = arith.constant 10 : i32
    %shift_left3A_88 = vector.broadcast %shift_left3A_87 : i32 to vector<16xi32>
    %shift_left3A_89 = arith.shli %shift_right_logical3A_86, %shift_left3A_88 : vector<16xi32>
    %and3A_90 = arith.constant 127 : i32
    %and3A_91 = vector.broadcast %and3A_90 : i32 to vector<16xi32>
    %and3A_92 = arith.andi %get3A_83, %and3A_91 : vector<16xi32>
    %add3A_93 = arith.addi %shift_left3A_89, %and3A_92 : vector<16xi32>
    %swap3A_94 = arith.constant 96 : index
    %swap3A_95 = tpu.vector_load %arg7[%swap3A_94] {strides = array<i32>} : memref<512xi32, #tpu.memory_space<vmem>>, vector<16xi32>,
    tpu.vector_store %arg7[%swap3A_94], %add3A_93 {strides = array<i32>} : memref<512xi32, #tpu.memory_space<vmem>>, vector<16xi32>,
    %get3A_96 = arith.constant 112 : index
    %get3A_97 = tpu.vector_load %arg6[%get3A_96] {strides = array<i32>} : memref<512xi32, #tpu.memory_space<vmem>>, vector<16xi32>,
    %shift_right_logical3A_98 = arith.constant 7 : i32
    %shift_right_logical3A_99 = vector.broadcast %shift_right_logical3A_98 : i32 to vector<16xi32>
    %shift_right_logical3A_100 = arith.shrui %get3A_97, %shift_right_logical3A_99 : vector<16xi32>
    %shift_left3A_101 = arith.constant 10 : i32
    %shift_left3A_102 = vector.broadcast %shift_left3A_101 : i32 to vector<16xi32>
    %shift_left3A_103 = arith.shli %shift_right_logical3A_100, %shift_left3A_102 : vector<16xi32>
    %and3A_104 = arith.constant 127 : i32
    %and3A_105 = vector.broadcast %and3A_104 : i32 to vector<16xi32>
    %and3A_106 = arith.andi %get3A_97, %and3A_105 : vector<16xi32>
    %add3A_107 = arith.addi %shift_left3A_103, %and3A_106 : vector<16xi32>
    %swap3A_108 = arith.constant 112 : index
    %swap3A_109 = tpu.vector_load %arg7[%swap3A_108] {strides = array<i32>} : memref<512xi32, #tpu.memory_space<vmem>>, vector<16xi32>,
    tpu.vector_store %arg7[%swap3A_108], %add3A_107 {strides = array<i32>} : memref<512xi32, #tpu.memory_space<vmem>>, vector<16xi32>,
    %get3A_110 = arith.constant 128 : index
    %get3A_111 = tpu.vector_load %arg6[%get3A_110] {strides = array<i32>} : memref<512xi32, #tpu.memory_space<vmem>>, vector<16xi32>,
    %shift_right_logical3A_112 = arith.constant 7 : i32
    %shift_right_logical3A_113 = vector.broadcast %shift_right_logical3A_112 : i32 to vector<16xi32>
    %shift_right_logical3A_114 = arith.shrui %get3A_111, %shift_right_logical3A_113 : vector<16xi32>
    %shift_left3A_115 = arith.constant 10 : i32
    %shift_left3A_116 = vector.broadcast %shift_left3A_115 : i32 to vector<16xi32>
    %shift_left3A_117 = arith.shli %shift_right_logical3A_114, %shift_left3A_116 : vector<16xi32>
    %and3A_118 = arith.constant 127 : i32
    %and3A_119 = vector.broadcast %and3A_118 : i32 to vector<16xi32>
    %and3A_120 = arith.andi %get3A_111, %and3A_119 : vector<16xi32>
    %add3A_121 = arith.addi %shift_left3A_117, %and3A_120 : vector<16xi32>
    %swap3A_122 = arith.constant 128 : index
    %swap3A_123 = tpu.vector_load %arg7[%swap3A_122] {strides = array<i32>} : memref<512xi32, #tpu.memory_space<vmem>>, vector<16xi32>,
    tpu.vector_store %arg7[%swap3A_122], %add3A_121 {strides = array<i32>} : memref<512xi32, #tpu.memory_space<vmem>>, vector<16xi32>,
    %get3A_124 = arith.constant 144 : index
    %get3A_125 = tpu.vector_load %arg6[%get3A_124] {strides = array<i32>} : memref<512xi32, #tpu.memory_space<vmem>>, vector<16xi32>,
    %shift_right_logical3A_126 = arith.constant 7 : i32
    %shift_right_logical3A_127 = vector.broadcast %shift_right_logical3A_126 : i32 to vector<16xi32>
    %shift_right_logical3A_128 = arith.shrui %get3A_125, %shift_right_logical3A_127 : vector<16xi32>
    %shift_left3A_129 = arith.constant 10 : i32
    %shift_left3A_130 = vector.broadcast %shift_left3A_129 : i32 to vector<16xi32>
    %shift_left3A_131 = arith.shli %shift_right_logical3A_128, %shift_left3A_130 : vector<16xi32>
    %and3A_132 = arith.constant 127 : i32
    %and3A_133 = vector.broadcast %and3A_132 : i32 to vector<16xi32>
    %and3A_134 = arith.andi %get3A_125, %and3A_133 : vector<16xi32>
    %add3A_135 = arith.addi %shift_left3A_131, %and3A_134 : vector<16xi32>
    %swap3A_136 = arith.constant 144 : index
    %swap3A_137 = tpu.vector_load %arg7[%swap3A_136] {strides = array<i32>} : memref<512xi32, #tpu.memory_space<vmem>>, vector<16xi32>,
    tpu.vector_store %arg7[%swap3A_136], %add3A_135 {strides = array<i32>} : memref<512xi32, #tpu.memory_space<vmem>>, vector<16xi32>,
    %get3A_138 = arith.constant 160 : index
    %get3A_139 = tpu.vector_load %arg6[%get3A_138] {strides = array<i32>} : memref<512xi32, #tpu.memory_space<vmem>>, vector<16xi32>,
    %shift_right_logical3A_140 = arith.constant 7 : i32
    %shift_right_logical3A_141 = vector.broadcast %shift_right_logical3A_140 : i32 to vector<16xi32>
    %shift_right_logical3A_142 = arith.shrui %get3A_139, %shift_right_logical3A_141 : vector<16xi32>
    %shift_left3A_143 = arith.constant 10 : i32
    %shift_left3A_144 = vector.broadcast %shift_left3A_143 : i32 to vector<16xi32>
    %shift_left3A_145 = arith.shli %shift_right_logical3A_142, %shift_left3A_144 : vector<16xi32>
    %and3A_146 = arith.constant 127 : i32
    %and3A_147 = vector.broadcast %and3A_146 : i32 to vector<16xi32>
    %and3A_148 = arith.andi %get3A_139, %and3A_147 : vector<16xi32>
    %add3A_149 = arith.addi %shift_left3A_145, %and3A_148 : vector<16xi32>
    %swap3A_150 = arith.constant 160 : index
    %swap3A_151 = tpu.vector_load %arg7[%swap3A_150] {strides = array<i32>} : memref<512xi32, #tpu.memory_space<vmem>>, vector<16xi32>,
    tpu.vector_store %arg7[%swap3A_150], %add3A_149 {strides = array<i32>} : memref<512xi32, #tpu.memory_space<vmem>>, vector<16xi32>,
    %get3A_152 = arith.constant 176 : index
    %get3A_153 = tpu.vector_load %arg6[%get3A_152] {strides = array<i32>} : memref<512xi32, #tpu.memory_space<vmem>>, vector<16xi32>,
    %shift_right_logical3A_154 = arith.constant 7 : i32
    %shift_right_logical3A_155 = vector.broadcast %shift_right_logical3A_154 : i32 to vector<16xi32>
    %shift_right_logical3A_156 = arith.shrui %get3A_153, %shift_right_logical3A_155 : vector<16xi32>
    %shift_left3A_157 = arith.constant 10 : i32
    %shift_left3A_158 = vector.broadcast %shift_left3A_157 : i32 to vector<16xi32>
    %shift_left3A_159 = arith.shli %shift_right_logical3A_156, %shift_left3A_158 : vector<16xi32>
    %and3A_160 = arith.constant 127 : i32
    %and3A_161 = vector.broadcast %and3A_160 : i32 to vector<16xi32>
    %and3A_162 = arith.andi %get3A_153, %and3A_161 : vector<16xi32>
    %add3A_163 = arith.addi %shift_left3A_159, %and3A_162 : vector<16xi32>
    %swap3A_164 = arith.constant 176 : index
    %swap3A_165 = tpu.vector_load %arg7[%swap3A_164] {strides = array<i32>} : memref<512xi32, #tpu.memory_space<vmem>>, vector<16xi32>,
    tpu.vector_store %arg7[%swap3A_164], %add3A_163 {strides = array<i32>} : memref<512xi32, #tpu.memory_space<vmem>>, vector<16xi32>,
    %get3A_166 = arith.constant 192 : index
    %get3A_167 = tpu.vector_load %arg6[%get3A_166] {strides = array<i32>} : memref<512xi32, #tpu.memory_space<vmem>>, vector<16xi32>,
    %shift_right_logical3A_168 = arith.constant 7 : i32
    %shift_right_logical3A_169 = vector.broadcast %shift_right_logical3A_168 : i32 to vector<16xi32>
    %shift_right_logical3A_170 = arith.shrui %get3A_167, %shift_right_logical3A_169 : vector<16xi32>
    %shift_left3A_171 = arith.constant 10 : i32
    %shift_left3A_172 = vector.broadcast %shift_left3A_171 : i32 to vector<16xi32>
    %shift_left3A_173 = arith.shli %shift_right_logical3A_170, %shift_left3A_172 : vector<16xi32>
    %and3A_174 = arith.constant 127 : i32
    %and3A_175 = vector.broadcast %and3A_174 : i32 to vector<16xi32>
    %and3A_176 = arith.andi %get3A_167, %and3A_175 : vector<16xi32>
    %add3A_177 = arith.addi %shift_left3A_173, %and3A_176 : vector<16xi32>
    %swap3A_178 = arith.constant 192 : index
    %swap3A_179 = tpu.vector_load %arg7[%swap3A_178] {strides = array<i32>} : memref<512xi32, #tpu.memory_space<vmem>>, vector<16xi32>,
    tpu.vector_store %arg7[%swap3A_178], %add3A_177 {strides = array<i32>} : memref<512xi32, #tpu.memory_space<vmem>>, vector<16xi32>,
    %get3A_180 = arith.constant 208 : index
    %get3A_181 = tpu.vector_load %arg6[%get3A_180] {strides = array<i32>} : memref<512xi32, #tpu.memory_space<vmem>>, vector<16xi32>,
    %shift_right_logical3A_182 = arith.constant 7 : i32
    %shift_right_logical3A_183 = vector.broadcast %shift_right_logical3A_182 : i32 to vector<16xi32>
    %shift_right_logical3A_184 = arith.shrui %get3A_181, %shift_right_logical3A_183 : vector<16xi32>
    %shift_left3A_185 = arith.constant 10 : i32
    %shift_left3A_186 = vector.broadcast %shift_left3A_185 : i32 to vector<16xi32>
    %shift_left3A_187 = arith.shli %shift_right_logical3A_184, %shift_left3A_186 : vector<16xi32>
    %and3A_188 = arith.constant 127 : i32
    %and3A_189 = vector.broadcast %and3A_188 : i32 to vector<16xi32>
    %and3A_190 = arith.andi %get3A_181, %and3A_189 : vector<16xi32>
    %add3A_191 = arith.addi %shift_left3A_187, %and3A_190 : vector<16xi32>
    %swap3A_192 = arith.constant 208 : index
    %swap3A_193 = tpu.vector_load %arg7[%swap3A_192] {strides = array<i32>} : memref<512xi32, #tpu.memory_space<vmem>>, vector<16xi32>,
    tpu.vector_store %arg7[%swap3A_192], %add3A_191 {strides = array<i32>} : memref<512xi32, #tpu.memory_space<vmem>>, vector<16xi32>,
    %get3A_194 = arith.constant 224 : index
    %get3A_195 = tpu.vector_load %arg6[%get3A_194] {strides = array<i32>} : memref<512xi32, #tpu.memory_space<vmem>>, vector<16xi32>,
    %shift_right_logical3A_196 = arith.constant 7 : i32
    %shift_right_logical3A_197 = vector.broadcast %shift_right_logical3A_196 : i32 to vector<16xi32>
    %shift_right_logical3A_198 = arith.shrui %get3A_195, %shift_right_logical3A_197 : vector<16xi32>
    %shift_left3A_199 = arith.constant 10 : i32
    %shift_left3A_200 = vector.broadcast %shift_left3A_199 : i32 to vector<16xi32>
    %shift_left3A_201 = arith.shli %shift_right_logical3A_198, %shift_left3A_200 : vector<16xi32>
    %and3A_202 = arith.constant 127 : i32
    %and3A_203 = vector.broadcast %and3A_202 : i32 to vector<16xi32>
    %and3A_204 = arith.andi %get3A_195, %and3A_203 : vector<16xi32>
    %add3A_205 = arith.addi %shift_left3A_201, %and3A_204 : vector<16xi32>
    %swap3A_206 = arith.constant 224 : index
    %swap3A_207 = tpu.vector_load %arg7[%swap3A_206] {strides = array<i32>} : memref<512xi32, #tpu.memory_space<vmem>>, vector<16xi32>,
    tpu.vector_store %arg7[%swap3A_206], %add3A_205 {strides = array<i32>} : memref<512xi32, #tpu.memory_space<vmem>>, vector<16xi32>,
    %get3A_208 = arith.constant 240 : index
    %get3A_209 = tpu.vector_load %arg6[%get3A_208] {strides = array<i32>} : memref<512xi32, #tpu.memory_space<vmem>>, vector<16xi32>,
    %shift_right_logical3A_210 = arith.constant 7 : i32
    %shift_right_logical3A_211 = vector.broadcast %shift_right_logical3A_210 : i32 to vector<16xi32>
    %shift_right_logical3A_212 = arith.shrui %get3A_209, %shift_right_logical3A_211 : vector<16xi32>
    %shift_left3A_213 = arith.constant 10 : i32
    %shift_left3A_214 = vector.broadcast %shift_left3A_213 : i32 to vector<16xi32>
    %shift_left3A_215 = arith.shli %shift_right_logical3A_212, %shift_left3A_214 : vector<16xi32>
    %and3A_216 = arith.constant 127 : i32
    %and3A_217 = vector.broadcast %and3A_216 : i32 to vector<16xi32>
    %and3A_218 = arith.andi %get3A_209, %and3A_217 : vector<16xi32>
    %add3A_219 = arith.addi %shift_left3A_215, %and3A_218 : vector<16xi32>
    %swap3A_220 = arith.constant 240 : index
    %swap3A_221 = tpu.vector_load %arg7[%swap3A_220] {strides = array<i32>} : memref<512xi32, #tpu.memory_space<vmem>>, vector<16xi32>,
    tpu.vector_store %arg7[%swap3A_220], %add3A_219 {strides = array<i32>} : memref<512xi32, #tpu.memory_space<vmem>>, vector<16xi32>,
    %get3A_222 = arith.constant 256 : index
    %get3A_223 = tpu.vector_load %arg6[%get3A_222] {strides = array<i32>} : memref<512xi32, #tpu.memory_space<vmem>>, vector<16xi32>,
    %shift_right_logical3A_224 = arith.constant 7 : i32
    %shift_right_logical3A_225 = vector.broadcast %shift_right_logical3A_224 : i32 to vector<16xi32>
    %shift_right_logical3A_226 = arith.shrui %get3A_223, %shift_right_logical3A_225 : vector<16xi32>
    %shift_left3A_227 = arith.constant 10 : i32
    %shift_left3A_228 = vector.broadcast %shift_left3A_227 : i32 to vector<16xi32>
    %shift_left3A_229 = arith.shli %shift_right_logical3A_226, %shift_left3A_228 : vector<16xi32>
    %and3A_230 = arith.constant 127 : i32
    %and3A_231 = vector.broadcast %and3A_230 : i32 to vector<16xi32>
    %and3A_232 = arith.andi %get3A_223, %and3A_231 : vector<16xi32>
    %add3A_233 = arith.addi %shift_left3A_229, %and3A_232 : vector<16xi32>
    %swap3A_234 = arith.constant 256 : index
    %swap3A_235 = tpu.vector_load %arg7[%swap3A_234] {strides = array<i32>} : memref<512xi32, #tpu.memory_space<vmem>>, vector<16xi32>,
    tpu.vector_store %arg7[%swap3A_234], %add3A_233 {strides = array<i32>} : memref<512xi32, #tpu.memory_space<vmem>>, vector<16xi32>,
    %get3A_236 = arith.constant 272 : index
    %get3A_237 = tpu.vector_load %arg6[%get3A_236] {strides = array<i32>} : memref<512xi32, #tpu.memory_space<vmem>>, vector<16xi32>,
    %shift_right_logical3A_238 = arith.constant 7 : i32
    %shift_right_logical3A_239 = vector.broadcast %shift_right_logical3A_238 : i32 to vector<16xi32>
    %shift_right_logical3A_240 = arith.shrui %get3A_237, %shift_right_logical3A_239 : vector<16xi32>
    %shift_left3A_241 = arith.constant 10 : i32
    %shift_left3A_242 = vector.broadcast %shift_left3A_241 : i32 to vector<16xi32>
    %shift_left3A_243 = arith.shli %shift_right_logical3A_240, %shift_left3A_242 : vector<16xi32>
    %and3A_244 = arith.constant 127 : i32
    %and3A_245 = vector.broadcast %and3A_244 : i32 to vector<16xi32>
    %and3A_246 = arith.andi %get3A_237, %and3A_245 : vector<16xi32>
    %add3A_247 = arith.addi %shift_left3A_243, %and3A_246 : vector<16xi32>
    %swap3A_248 = arith.constant 272 : index
    %swap3A_249 = tpu.vector_load %arg7[%swap3A_248] {strides = array<i32>} : memref<512xi32, #tpu.memory_space<vmem>>, vector<16xi32>,
    tpu.vector_store %arg7[%swap3A_248], %add3A_247 {strides = array<i32>} : memref<512xi32, #tpu.memory_space<vmem>>, vector<16xi32>,
    %get3A_250 = arith.constant 288 : index
    %get3A_251 = tpu.vector_load %arg6[%get3A_250] {strides = array<i32>} : memref<512xi32, #tpu.memory_space<vmem>>, vector<16xi32>,
    %shift_right_logical3A_252 = arith.constant 7 : i32
    %shift_right_logical3A_253 = vector.broadcast %shift_right_logical3A_252 : i32 to vector<16xi32>
    %shift_right_logical3A_254 = arith.shrui %get3A_251, %shift_right_logical3A_253 : vector<16xi32>
    %shift_left3A_255 = arith.constant 10 : i32
    %shift_left3A_256 = vector.broadcast %shift_left3A_255 : i32 to vector<16xi32>
    %shift_left3A_257 = arith.shli %shift_right_logical3A_254, %shift_left3A_256 : vector<16xi32>
    %and3A_258 = arith.constant 127 : i32
    %and3A_259 = vector.broadcast %and3A_258 : i32 to vector<16xi32>
    %and3A_260 = arith.andi %get3A_251, %and3A_259 : vector<16xi32>
    %add3A_261 = arith.addi %shift_left3A_257, %and3A_260 : vector<16xi32>
    %swap3A_262 = arith.constant 288 : index
    %swap3A_263 = tpu.vector_load %arg7[%swap3A_262] {strides = array<i32>} : memref<512xi32, #tpu.memory_space<vmem>>, vector<16xi32>,
    tpu.vector_store %arg7[%swap3A_262], %add3A_261 {strides = array<i32>} : memref<512xi32, #tpu.memory_space<vmem>>, vector<16xi32>,
    %get3A_264 = arith.constant 304 : index
    %get3A_265 = tpu.vector_load %arg6[%get3A_264] {strides = array<i32>} : memref<512xi32, #tpu.memory_space<vmem>>, vector<16xi32>,
    %shift_right_logical3A_266 = arith.constant 7 : i32
    %shift_right_logical3A_267 = vector.broadcast %shift_right_logical3A_266 : i32 to vector<16xi32>
    %shift_right_logical3A_268 = arith.shrui %get3A_265, %shift_right_logical3A_267 : vector<16xi32>
    %shift_left3A_269 = arith.constant 10 : i32
    %shift_left3A_270 = vector.broadcast %shift_left3A_269 : i32 to vector<16xi32>
    %shift_left3A_271 = arith.shli %shift_right_logical3A_268, %shift_left3A_270 : vector<16xi32>
    %and3A_272 = arith.constant 127 : i32
    %and3A_273 = vector.broadcast %and3A_272 : i32 to vector<16xi32>
    %and3A_274 = arith.andi %get3A_265, %and3A_273 : vector<16xi32>
    %add3A_275 = arith.addi %shift_left3A_271, %and3A_274 : vector<16xi32>
    %swap3A_276 = arith.constant 304 : index
    %swap3A_277 = tpu.vector_load %arg7[%swap3A_276] {strides = array<i32>} : memref<512xi32, #tpu.memory_space<vmem>>, vector<16xi32>,
    tpu.vector_store %arg7[%swap3A_276], %add3A_275 {strides = array<i32>} : memref<512xi32, #tpu.memory_space<vmem>>, vector<16xi32>,
    %get3A_278 = arith.constant 320 : index
    %get3A_279 = tpu.vector_load %arg6[%get3A_278] {strides = array<i32>} : memref<512xi32, #tpu.memory_space<vmem>>, vector<16xi32>,
    %shift_right_logical3A_280 = arith.constant 7 : i32
    %shift_right_logical3A_281 = vector.broadcast %shift_right_logical3A_280 : i32 to vector<16xi32>
    %shift_right_logical3A_282 = arith.shrui %get3A_279, %shift_right_logical3A_281 : vector<16xi32>
    %shift_left3A_283 = arith.constant 10 : i32
    %shift_left3A_284 = vector.broadcast %shift_left3A_283 : i32 to vector<16xi32>
    %shift_left3A_285 = arith.shli %shift_right_logical3A_282, %shift_left3A_284 : vector<16xi32>
    %and3A_286 = arith.constant 127 : i32
    %and3A_287 = vector.broadcast %and3A_286 : i32 to vector<16xi32>
    %and3A_288 = arith.andi %get3A_279, %and3A_287 : vector<16xi32>
    %add3A_289 = arith.addi %shift_left3A_285, %and3A_288 : vector<16xi32>
    %swap3A_290 = arith.constant 320 : index
    %swap3A_291 = tpu.vector_load %arg7[%swap3A_290] {strides = array<i32>} : memref<512xi32, #tpu.memory_space<vmem>>, vector<16xi32>,
    tpu.vector_store %arg7[%swap3A_290], %add3A_289 {strides = array<i32>} : memref<512xi32, #tpu.memory_space<vmem>>, vector<16xi32>,
    %get3A_292 = arith.constant 336 : index
    %get3A_293 = tpu.vector_load %arg6[%get3A_292] {strides = array<i32>} : memref<512xi32, #tpu.memory_space<vmem>>, vector<16xi32>,
    %shift_right_logical3A_294 = arith.constant 7 : i32
    %shift_right_logical3A_295 = vector.broadcast %shift_right_logical3A_294 : i32 to vector<16xi32>
    %shift_right_logical3A_296 = arith.shrui %get3A_293, %shift_right_logical3A_295 : vector<16xi32>
    %shift_left3A_297 = arith.constant 10 : i32
    %shift_left3A_298 = vector.broadcast %shift_left3A_297 : i32 to vector<16xi32>
    %shift_left3A_299 = arith.shli %shift_right_logical3A_296, %shift_left3A_298 : vector<16xi32>
    %and3A_300 = arith.constant 127 : i32
    %and3A_301 = vector.broadcast %and3A_300 : i32 to vector<16xi32>
    %and3A_302 = arith.andi %get3A_293, %and3A_301 : vector<16xi32>
    %add3A_303 = arith.addi %shift_left3A_299, %and3A_302 : vector<16xi32>
    %swap3A_304 = arith.constant 336 : index
    %swap3A_305 = tpu.vector_load %arg7[%swap3A_304] {strides = array<i32>} : memref<512xi32, #tpu.memory_space<vmem>>, vector<16xi32>,
    tpu.vector_store %arg7[%swap3A_304], %add3A_303 {strides = array<i32>} : memref<512xi32, #tpu.memory_space<vmem>>, vector<16xi32>,
    %get3A_306 = arith.constant 352 : index
    %get3A_307 = tpu.vector_load %arg6[%get3A_306] {strides = array<i32>} : memref<512xi32, #tpu.memory_space<vmem>>, vector<16xi32>,
    %shift_right_logical3A_308 = arith.constant 7 : i32
    %shift_right_logical3A_309 = vector.broadcast %shift_right_logical3A_308 : i32 to vector<16xi32>
    %shift_right_logical3A_310 = arith.shrui %get3A_307, %shift_right_logical3A_309 : vector<16xi32>
    %shift_left3A_311 = arith.constant 10 : i32
    %shift_left3A_312 = vector.broadcast %shift_left3A_311 : i32 to vector<16xi32>
    %shift_left3A_313 = arith.shli %shift_right_logical3A_310, %shift_left3A_312 : vector<16xi32>
    %and3A_314 = arith.constant 127 : i32
    %and3A_315 = vector.broadcast %and3A_314 : i32 to vector<16xi32>
    %and3A_316 = arith.andi %get3A_307, %and3A_315 : vector<16xi32>
    %add3A_317 = arith.addi %shift_left3A_313, %and3A_316 : vector<16xi32>
    %swap3A_318 = arith.constant 352 : index
    %swap3A_319 = tpu.vector_load %arg7[%swap3A_318] {strides = array<i32>} : memref<512xi32, #tpu.memory_space<vmem>>, vector<16xi32>,
    tpu.vector_store %arg7[%swap3A_318], %add3A_317 {strides = array<i32>} : memref<512xi32, #tpu.memory_space<vmem>>, vector<16xi32>,
    %get3A_320 = arith.constant 368 : index
    %get3A_321 = tpu.vector_load %arg6[%get3A_320] {strides = array<i32>} : memref<512xi32, #tpu.memory_space<vmem>>, vector<16xi32>,
    %shift_right_logical3A_322 = arith.constant 7 : i32
    %shift_right_logical3A_323 = vector.broadcast %shift_right_logical3A_322 : i32 to vector<16xi32>
    %shift_right_logical3A_324 = arith.shrui %get3A_321, %shift_right_logical3A_323 : vector<16xi32>
    %shift_left3A_325 = arith.constant 10 : i32
    %shift_left3A_326 = vector.broadcast %shift_left3A_325 : i32 to vector<16xi32>
    %shift_left3A_327 = arith.shli %shift_right_logical3A_324, %shift_left3A_326 : vector<16xi32>
    %and3A_328 = arith.constant 127 : i32
    %and3A_329 = vector.broadcast %and3A_328 : i32 to vector<16xi32>
    %and3A_330 = arith.andi %get3A_321, %and3A_329 : vector<16xi32>
    %add3A_331 = arith.addi %shift_left3A_327, %and3A_330 : vector<16xi32>
    %swap3A_332 = arith.constant 368 : index
    %swap3A_333 = tpu.vector_load %arg7[%swap3A_332] {strides = array<i32>} : memref<512xi32, #tpu.memory_space<vmem>>, vector<16xi32>,
    tpu.vector_store %arg7[%swap3A_332], %add3A_331 {strides = array<i32>} : memref<512xi32, #tpu.memory_space<vmem>>, vector<16xi32>,
    %get3A_334 = arith.constant 384 : index
    %get3A_335 = tpu.vector_load %arg6[%get3A_334] {strides = array<i32>} : memref<512xi32, #tpu.memory_space<vmem>>, vector<16xi32>,
    %shift_right_logical3A_336 = arith.constant 7 : i32
    %shift_right_logical3A_337 = vector.broadcast %shift_right_logical3A_336 : i32 to vector<16xi32>
    %shift_right_logical3A_338 = arith.shrui %get3A_335, %shift_right_logical3A_337 : vector<16xi32>
    %shift_left3A_339 = arith.constant 10 : i32
    %shift_left3A_340 = vector.broadcast %shift_left3A_339 : i32 to vector<16xi32>
    %shift_left3A_341 = arith.shli %shift_right_logical3A_338, %shift_left3A_340 : vector<16xi32>
    %and3A_342 = arith.constant 127 : i32
    %and3A_343 = vector.broadcast %and3A_342 : i32 to vector<16xi32>
    %and3A_344 = arith.andi %get3A_335, %and3A_343 : vector<16xi32>
    %add3A_345 = arith.addi %shift_left3A_341, %and3A_344 : vector<16xi32>
    %swap3A_346 = arith.constant 384 : index
    %swap3A_347 = tpu.vector_load %arg7[%swap3A_346] {strides = array<i32>} : memref<512xi32, #tpu.memory_space<vmem>>, vector<16xi32>,
    tpu.vector_store %arg7[%swap3A_346], %add3A_345 {strides = array<i32>} : memref<512xi32, #tpu.memory_space<vmem>>, vector<16xi32>,
    %get3A_348 = arith.constant 400 : index
    %get3A_349 = tpu.vector_load %arg6[%get3A_348] {strides = array<i32>} : memref<512xi32, #tpu.memory_space<vmem>>, vector<16xi32>,
    %shift_right_logical3A_350 = arith.constant 7 : i32
    %shift_right_logical3A_351 = vector.broadcast %shift_right_logical3A_350 : i32 to vector<16xi32>
    %shift_right_logical3A_352 = arith.shrui %get3A_349, %shift_right_logical3A_351 : vector<16xi32>
    %shift_left3A_353 = arith.constant 10 : i32
    %shift_left3A_354 = vector.broadcast %shift_left3A_353 : i32 to vector<16xi32>
    %shift_left3A_355 = arith.shli %shift_right_logical3A_352, %shift_left3A_354 : vector<16xi32>
    %and3A_356 = arith.constant 127 : i32
    %and3A_357 = vector.broadcast %and3A_356 : i32 to vector<16xi32>
    %and3A_358 = arith.andi %get3A_349, %and3A_357 : vector<16xi32>
    %add3A_359 = arith.addi %shift_left3A_355, %and3A_358 : vector<16xi32>
    %swap3A_360 = arith.constant 400 : index
    %swap3A_361 = tpu.vector_load %arg7[%swap3A_360] {strides = array<i32>} : memref<512xi32, #tpu.memory_space<vmem>>, vector<16xi32>,
    tpu.vector_store %arg7[%swap3A_360], %add3A_359 {strides = array<i32>} : memref<512xi32, #tpu.memory_space<vmem>>, vector<16xi32>,
    %get3A_362 = arith.constant 416 : index
    %get3A_363 = tpu.vector_load %arg6[%get3A_362] {strides = array<i32>} : memref<512xi32, #tpu.memory_space<vmem>>, vector<16xi32>,
    %shift_right_logical3A_364 = arith.constant 7 : i32
    %shift_right_logical3A_365 = vector.broadcast %shift_right_logical3A_364 : i32 to vector<16xi32>
    %shift_right_logical3A_366 = arith.shrui %get3A_363, %shift_right_logical3A_365 : vector<16xi32>
    %shift_left3A_367 = arith.constant 10 : i32
    %shift_left3A_368 = vector.broadcast %shift_left3A_367 : i32 to vector<16xi32>
    %shift_left3A_369 = arith.shli %shift_right_logical3A_366, %shift_left3A_368 : vector<16xi32>
    %and3A_370 = arith.constant 127 : i32
    %and3A_371 = vector.broadcast %and3A_370 : i32 to vector<16xi32>
    %and3A_372 = arith.andi %get3A_363, %and3A_371 : vector<16xi32>
    %add3A_373 = arith.addi %shift_left3A_369, %and3A_372 : vector<16xi32>
    %swap3A_374 = arith.constant 416 : index
    %swap3A_375 = tpu.vector_load %arg7[%swap3A_374] {strides = array<i32>} : memref<512xi32, #tpu.memory_space<vmem>>, vector<16xi32>,
    tpu.vector_store %arg7[%swap3A_374], %add3A_373 {strides = array<i32>} : memref<512xi32, #tpu.memory_space<vmem>>, vector<16xi32>,
    %get3A_376 = arith.constant 432 : index
    %get3A_377 = tpu.vector_load %arg6[%get3A_376] {strides = array<i32>} : memref<512xi32, #tpu.memory_space<vmem>>, vector<16xi32>,
    %shift_right_logical3A_378 = arith.constant 7 : i32
    %shift_right_logical3A_379 = vector.broadcast %shift_right_logical3A_378 : i32 to vector<16xi32>
    %shift_right_logical3A_380 = arith.shrui %get3A_377, %shift_right_logical3A_379 : vector<16xi32>
    %shift_left3A_381 = arith.constant 10 : i32
    %shift_left3A_382 = vector.broadcast %shift_left3A_381 : i32 to vector<16xi32>
    %shift_left3A_383 = arith.shli %shift_right_logical3A_380, %shift_left3A_382 : vector<16xi32>
    %and3A_384 = arith.constant 127 : i32
    %and3A_385 = vector.broadcast %and3A_384 : i32 to vector<16xi32>
    %and3A_386 = arith.andi %get3A_377, %and3A_385 : vector<16xi32>
    %add3A_387 = arith.addi %shift_left3A_383, %and3A_386 : vector<16xi32>
    %swap3A_388 = arith.constant 432 : index
    %swap3A_389 = tpu.vector_load %arg7[%swap3A_388] {strides = array<i32>} : memref<512xi32, #tpu.memory_space<vmem>>, vector<16xi32>,
    tpu.vector_store %arg7[%swap3A_388], %add3A_387 {strides = array<i32>} : memref<512xi32, #tpu.memory_space<vmem>>, vector<16xi32>,
    %get3A_390 = arith.constant 448 : index
    %get3A_391 = tpu.vector_load %arg6[%get3A_390] {strides = array<i32>} : memref<512xi32, #tpu.memory_space<vmem>>, vector<16xi32>,
    %shift_right_logical3A_392 = arith.constant 7 : i32
    %shift_right_logical3A_393 = vector.broadcast %shift_right_logical3A_392 : i32 to vector<16xi32>
    %shift_right_logical3A_394 = arith.shrui %get3A_391, %shift_right_logical3A_393 : vector<16xi32>
    %shift_left3A_395 = arith.constant 10 : i32
    %shift_left3A_396 = vector.broadcast %shift_left3A_395 : i32 to vector<16xi32>
    %shift_left3A_397 = arith.shli %shift_right_logical3A_394, %shift_left3A_396 : vector<16xi32>
    %and3A_398 = arith.constant 127 : i32
    %and3A_399 = vector.broadcast %and3A_398 : i32 to vector<16xi32>
    %and3A_400 = arith.andi %get3A_391, %and3A_399 : vector<16xi32>
    %add3A_401 = arith.addi %shift_left3A_397, %and3A_400 : vector<16xi32>
    %swap3A_402 = arith.constant 448 : index
    %swap3A_403 = tpu.vector_load %arg7[%swap3A_402] {strides = array<i32>} : memref<512xi32, #tpu.memory_space<vmem>>, vector<16xi32>,
    tpu.vector_store %arg7[%swap3A_402], %add3A_401 {strides = array<i32>} : memref<512xi32, #tpu.memory_space<vmem>>, vector<16xi32>,
    %get3A_404 = arith.constant 464 : index
    %get3A_405 = tpu.vector_load %arg6[%get3A_404] {strides = array<i32>} : memref<512xi32, #tpu.memory_space<vmem>>, vector<16xi32>,
    %shift_right_logical3A_406 = arith.constant 7 : i32
    %shift_right_logical3A_407 = vector.broadcast %shift_right_logical3A_406 : i32 to vector<16xi32>
    %shift_right_logical3A_408 = arith.shrui %get3A_405, %shift_right_logical3A_407 : vector<16xi32>
    %shift_left3A_409 = arith.constant 10 : i32
    %shift_left3A_410 = vector.broadcast %shift_left3A_409 : i32 to vector<16xi32>
    %shift_left3A_411 = arith.shli %shift_right_logical3A_408, %shift_left3A_410 : vector<16xi32>
    %and3A_412 = arith.constant 127 : i32
    %and3A_413 = vector.broadcast %and3A_412 : i32 to vector<16xi32>
    %and3A_414 = arith.andi %get3A_405, %and3A_413 : vector<16xi32>
    %add3A_415 = arith.addi %shift_left3A_411, %and3A_414 : vector<16xi32>
    %swap3A_416 = arith.constant 464 : index
    %swap3A_417 = tpu.vector_load %arg7[%swap3A_416] {strides = array<i32>} : memref<512xi32, #tpu.memory_space<vmem>>, vector<16xi32>,
    tpu.vector_store %arg7[%swap3A_416], %add3A_415 {strides = array<i32>} : memref<512xi32, #tpu.memory_space<vmem>>, vector<16xi32>,
    %get3A_418 = arith.constant 480 : index
    %get3A_419 = tpu.vector_load %arg6[%get3A_418] {strides = array<i32>} : memref<512xi32, #tpu.memory_space<vmem>>, vector<16xi32>,
    %shift_right_logical3A_420 = arith.constant 7 : i32
    %shift_right_logical3A_421 = vector.broadcast %shift_right_logical3A_420 : i32 to vector<16xi32>
    %shift_right_logical3A_422 = arith.shrui %get3A_419, %shift_right_logical3A_421 : vector<16xi32>
    %shift_left3A_423 = arith.constant 10 : i32
    %shift_left3A_424 = vector.broadcast %shift_left3A_423 : i32 to vector<16xi32>
    %shift_left3A_425 = arith.shli %shift_right_logical3A_422, %shift_left3A_424 : vector<16xi32>
    %and3A_426 = arith.constant 127 : i32
    %and3A_427 = vector.broadcast %and3A_426 : i32 to vector<16xi32>
    %and3A_428 = arith.andi %get3A_419, %and3A_427 : vector<16xi32>
    %add3A_429 = arith.addi %shift_left3A_425, %and3A_428 : vector<16xi32>
    %swap3A_430 = arith.constant 480 : index
    %swap3A_431 = tpu.vector_load %arg7[%swap3A_430] {strides = array<i32>} : memref<512xi32, #tpu.memory_space<vmem>>, vector<16xi32>,
    tpu.vector_store %arg7[%swap3A_430], %add3A_429 {strides = array<i32>} : memref<512xi32, #tpu.memory_space<vmem>>, vector<16xi32>,
    %get3A_432 = arith.constant 496 : index
    %get3A_433 = tpu.vector_load %arg6[%get3A_432] {strides = array<i32>} : memref<512xi32, #tpu.memory_space<vmem>>, vector<16xi32>,
    %shift_right_logical3A_434 = arith.constant 7 : i32
    %shift_right_logical3A_435 = vector.broadcast %shift_right_logical3A_434 : i32 to vector<16xi32>
    %shift_right_logical3A_436 = arith.shrui %get3A_433, %shift_right_logical3A_435 : vector<16xi32>
    %shift_left3A_437 = arith.constant 10 : i32
    %shift_left3A_438 = vector.broadcast %shift_left3A_437 : i32 to vector<16xi32>
    %shift_left3A_439 = arith.shli %shift_right_logical3A_436, %shift_left3A_438 : vector<16xi32>
    %and3A_440 = arith.constant 127 : i32
    %and3A_441 = vector.broadcast %and3A_440 : i32 to vector<16xi32>
    %and3A_442 = arith.andi %get3A_433, %and3A_441 : vector<16xi32>
    %add3A_443 = arith.addi %shift_left3A_439, %and3A_442 : vector<16xi32>
    %swap3A_444 = arith.constant 496 : index
    %swap3A_445 = tpu.vector_load %arg7[%swap3A_444] {strides = array<i32>} : memref<512xi32, #tpu.memory_space<vmem>>, vector<16xi32>,
    tpu.vector_store %arg7[%swap3A_444], %add3A_443 {strides = array<i32>} : memref<512xi32, #tpu.memory_space<vmem>>, vector<16xi32>,
    %dma_start3A = arith.constant 0 : i32
    %dma_start3A_446 = tpu.memref_slice %arg8[%dma_start3A] : memref<8192xf32, #tpu.memory_space<vmem>> -> memref<512xf32, #tpu.memory_space<vmem>>
    %dma_start3A_447 = arith.constant 0 : i32
    %dma_start3A_448 = tpu.memref_slice %arg7[%dma_start3A_447] : memref<512xi32, #tpu.memory_space<vmem>> -> memref<512xi32, #tpu.memory_space<vmem>>
    %dma_start3A_449 = arith.constant 0 : i32
    %dma_start3A_450 = tpu.memref_slice %arg3[%dma_start3A_449] : memref<16001024xf32, #tpu.memory_space<hbm>> -> memref<16001024xf32, #tpu.memory_space<hbm>>
    %dma_start3A_451 = arith.constant 0 : i32
    %dma_start3A_452 = tpu.memref_slice %dma_start3A_450[%dma_start3A_451] : memref<16001024xf32, #tpu.memory_space<hbm>> -> memref<16001024xf32, #tpu.memory_space<hbm>>
    tpu.enqueue_indirect_dma source(%dma_start3A_452 : memref<16001024xf32, #tpu.memory_space<hbm>>) target(%dma_start3A_446 : memref<512xf32, #tpu.memory_space<vmem>>) offsets(%dma_start3A_448 : memref<512xi32, #tpu.memory_space<vmem>>) semaphore(%arg11 : memref<!tpu.dma_semaphore, #tpu.memory_space<semaphore_mem>>)
    %dma_start3A_453 = arith.constant 512 : i32
    %dma_start3A_454 = tpu.memref_slice %arg8[%dma_start3A_453] : memref<8192xf32, #tpu.memory_space<vmem>> -> memref<512xf32, #tpu.memory_space<vmem>>
    %dma_start3A_455 = arith.constant 0 : i32
    %dma_start3A_456 = tpu.memref_slice %arg7[%dma_start3A_455] : memref<512xi32, #tpu.memory_space<vmem>> -> memref<512xi32, #tpu.memory_space<vmem>>
    %dma_start3A_457 = arith.constant 128 : i32
    %dma_start3A_458 = tpu.memref_slice %arg3[%dma_start3A_457] : memref<16001024xf32, #tpu.memory_space<hbm>> -> memref<16000896xf32, #tpu.memory_space<hbm>>
    %dma_start3A_459 = arith.constant 0 : i32
    %dma_start3A_460 = tpu.memref_slice %dma_start3A_458[%dma_start3A_459] : memref<16000896xf32, #tpu.memory_space<hbm>> -> memref<16000896xf32, #tpu.memory_space<hbm>>
    tpu.enqueue_indirect_dma source(%dma_start3A_460 : memref<16000896xf32, #tpu.memory_space<hbm>>) target(%dma_start3A_454 : memref<512xf32, #tpu.memory_space<vmem>>) offsets(%dma_start3A_456 : memref<512xi32, #tpu.memory_space<vmem>>) semaphore(%arg11 : memref<!tpu.dma_semaphore, #tpu.memory_space<semaphore_mem>>)
    %dma_start3A_461 = arith.constant 1024 : i32
    %dma_start3A_462 = tpu.memref_slice %arg8[%dma_start3A_461] : memref<8192xf32, #tpu.memory_space<vmem>> -> memref<512xf32, #tpu.memory_space<vmem>>
    %dma_start3A_463 = arith.constant 0 : i32
    %dma_start3A_464 = tpu.memref_slice %arg7[%dma_start3A_463] : memref<512xi32, #tpu.memory_space<vmem>> -> memref<512xi32, #tpu.memory_space<vmem>>
    %dma_start3A_465 = arith.constant 256 : i32
    %dma_start3A_466 = tpu.memref_slice %arg3[%dma_start3A_465] : memref<16001024xf32, #tpu.memory_space<hbm>> -> memref<16000768xf32, #tpu.memory_space<hbm>>
    %dma_start3A_467 = arith.constant 0 : i32
    %dma_start3A_468 = tpu.memref_slice %dma_start3A_466[%dma_start3A_467] : memref<16000768xf32, #tpu.memory_space<hbm>> -> memref<16000768xf32, #tpu.memory_space<hbm>>
    tpu.enqueue_indirect_dma source(%dma_start3A_468 : memref<16000768xf32, #tpu.memory_space<hbm>>) target(%dma_start3A_462 : memref<512xf32, #tpu.memory_space<vmem>>) offsets(%dma_start3A_464 : memref<512xi32, #tpu.memory_space<vmem>>) semaphore(%arg11 : memref<!tpu.dma_semaphore, #tpu.memory_space<semaphore_mem>>)
    %dma_start3A_469 = arith.constant 1536 : i32
    %dma_start3A_470 = tpu.memref_slice %arg8[%dma_start3A_469] : memref<8192xf32, #tpu.memory_space<vmem>> -> memref<512xf32, #tpu.memory_space<vmem>>
    %dma_start3A_471 = arith.constant 0 : i32
    %dma_start3A_472 = tpu.memref_slice %arg7[%dma_start3A_471] : memref<512xi32, #tpu.memory_space<vmem>> -> memref<512xi32, #tpu.memory_space<vmem>>
    %dma_start3A_473 = arith.constant 384 : i32
    %dma_start3A_474 = tpu.memref_slice %arg3[%dma_start3A_473] : memref<16001024xf32, #tpu.memory_space<hbm>> -> memref<16000640xf32, #tpu.memory_space<hbm>>
    %dma_start3A_475 = arith.constant 0 : i32
    %dma_start3A_476 = tpu.memref_slice %dma_start3A_474[%dma_start3A_475] : memref<16000640xf32, #tpu.memory_space<hbm>> -> memref<16000640xf32, #tpu.memory_space<hbm>>
    tpu.enqueue_indirect_dma source(%dma_start3A_476 : memref<16000640xf32, #tpu.memory_space<hbm>>) target(%dma_start3A_470 : memref<512xf32, #tpu.memory_space<vmem>>) offsets(%dma_start3A_472 : memref<512xi32, #tpu.memory_space<vmem>>) semaphore(%arg11 : memref<!tpu.dma_semaphore, #tpu.memory_space<semaphore_mem>>)
    %dma_start3A_477 = arith.constant 2048 : i32
    %dma_start3A_478 = tpu.memref_slice %arg8[%dma_start3A_477] : memref<8192xf32, #tpu.memory_space<vmem>> -> memref<512xf32, #tpu.memory_space<vmem>>
    %dma_start3A_479 = arith.constant 0 : i32
    %dma_start3A_480 = tpu.memref_slice %arg7[%dma_start3A_479] : memref<512xi32, #tpu.memory_space<vmem>> -> memref<512xi32, #tpu.memory_space<vmem>>
    %dma_start3A_481 = arith.constant 512 : i32
    %dma_start3A_482 = tpu.memref_slice %arg3[%dma_start3A_481] : memref<16001024xf32, #tpu.memory_space<hbm>> -> memref<16000512xf32, #tpu.memory_space<hbm>>
    %dma_start3A_483 = arith.constant 0 : i32
    %dma_start3A_484 = tpu.memref_slice %dma_start3A_482[%dma_start3A_483] : memref<16000512xf32, #tpu.memory_space<hbm>> -> memref<16000512xf32, #tpu.memory_space<hbm>>
    tpu.enqueue_indirect_dma source(%dma_start3A_484 : memref<16000512xf32, #tpu.memory_space<hbm>>) target(%dma_start3A_478 : memref<512xf32, #tpu.memory_space<vmem>>) offsets(%dma_start3A_480 : memref<512xi32, #tpu.memory_space<vmem>>) semaphore(%arg11 : memref<!tpu.dma_semaphore, #tpu.memory_space<semaphore_mem>>)
    %dma_start3A_485 = arith.constant 2560 : i32
    %dma_start3A_486 = tpu.memref_slice %arg8[%dma_start3A_485] : memref<8192xf32, #tpu.memory_space<vmem>> -> memref<512xf32, #tpu.memory_space<vmem>>
    %dma_start3A_487 = arith.constant 0 : i32
    %dma_start3A_488 = tpu.memref_slice %arg7[%dma_start3A_487] : memref<512xi32, #tpu.memory_space<vmem>> -> memref<512xi32, #tpu.memory_space<vmem>>
    %dma_start3A_489 = arith.constant 640 : i32
    %dma_start3A_490 = tpu.memref_slice %arg3[%dma_start3A_489] : memref<16001024xf32, #tpu.memory_space<hbm>> -> memref<16000384xf32, #tpu.memory_space<hbm>>
    %dma_start3A_491 = arith.constant 0 : i32
    %dma_start3A_492 = tpu.memref_slice %dma_start3A_490[%dma_start3A_491] : memref<16000384xf32, #tpu.memory_space<hbm>> -> memref<16000384xf32, #tpu.memory_space<hbm>>
    tpu.enqueue_indirect_dma source(%dma_start3A_492 : memref<16000384xf32, #tpu.memory_space<hbm>>) target(%dma_start3A_486 : memref<512xf32, #tpu.memory_space<vmem>>) offsets(%dma_start3A_488 : memref<512xi32, #tpu.memory_space<vmem>>) semaphore(%arg11 : memref<!tpu.dma_semaphore, #tpu.memory_space<semaphore_mem>>)
    %dma_start3A_493 = arith.constant 3072 : i32
    %dma_start3A_494 = tpu.memref_slice %arg8[%dma_start3A_493] : memref<8192xf32, #tpu.memory_space<vmem>> -> memref<512xf32, #tpu.memory_space<vmem>>
    %dma_start3A_495 = arith.constant 0 : i32
    %dma_start3A_496 = tpu.memref_slice %arg7[%dma_start3A_495] : memref<512xi32, #tpu.memory_space<vmem>> -> memref<512xi32, #tpu.memory_space<vmem>>
    %dma_start3A_497 = arith.constant 768 : i32
    %dma_start3A_498 = tpu.memref_slice %arg3[%dma_start3A_497] : memref<16001024xf32, #tpu.memory_space<hbm>> -> memref<16000256xf32, #tpu.memory_space<hbm>>
    %dma_start3A_499 = arith.constant 0 : i32
    %dma_start3A_500 = tpu.memref_slice %dma_start3A_498[%dma_start3A_499] : memref<16000256xf32, #tpu.memory_space<hbm>> -> memref<16000256xf32, #tpu.memory_space<hbm>>
    tpu.enqueue_indirect_dma source(%dma_start3A_500 : memref<16000256xf32, #tpu.memory_space<hbm>>) target(%dma_start3A_494 : memref<512xf32, #tpu.memory_space<vmem>>) offsets(%dma_start3A_496 : memref<512xi32, #tpu.memory_space<vmem>>) semaphore(%arg11 : memref<!tpu.dma_semaphore, #tpu.memory_space<semaphore_mem>>)
    %dma_start3A_501 = arith.constant 3584 : i32
    %dma_start3A_502 = tpu.memref_slice %arg8[%dma_start3A_501] : memref<8192xf32, #tpu.memory_space<vmem>> -> memref<512xf32, #tpu.memory_space<vmem>>
    %dma_start3A_503 = arith.constant 0 : i32
    %dma_start3A_504 = tpu.memref_slice %arg7[%dma_start3A_503] : memref<512xi32, #tpu.memory_space<vmem>> -> memref<512xi32, #tpu.memory_space<vmem>>
    %dma_start3A_505 = arith.constant 896 : i32
    %dma_start3A_506 = tpu.memref_slice %arg3[%dma_start3A_505] : memref<16001024xf32, #tpu.memory_space<hbm>> -> memref<16000128xf32, #tpu.memory_space<hbm>>
    %dma_start3A_507 = arith.constant 0 : i32
    %dma_start3A_508 = tpu.memref_slice %dma_start3A_506[%dma_start3A_507] : memref<16000128xf32, #tpu.memory_space<hbm>> -> memref<16000128xf32, #tpu.memory_space<hbm>>
    tpu.enqueue_indirect_dma source(%dma_start3A_508 : memref<16000128xf32, #tpu.memory_space<hbm>>) target(%dma_start3A_502 : memref<512xf32, #tpu.memory_space<vmem>>) offsets(%dma_start3A_504 : memref<512xi32, #tpu.memory_space<vmem>>) semaphore(%arg11 : memref<!tpu.dma_semaphore, #tpu.memory_space<semaphore_mem>>)
    %dma_start3A_509 = arith.constant 4096 : i32
    %dma_start3A_510 = tpu.memref_slice %arg8[%dma_start3A_509] : memref<8192xf32, #tpu.memory_space<vmem>> -> memref<512xf32, #tpu.memory_space<vmem>>
    %dma_start3A_511 = arith.constant 0 : i32
    %dma_start3A_512 = tpu.memref_slice %arg7[%dma_start3A_511] : memref<512xi32, #tpu.memory_space<vmem>> -> memref<512xi32, #tpu.memory_space<vmem>>
    %dma_start3A_513 = arith.constant 8000512 : i32
    %dma_start3A_514 = tpu.memref_slice %arg3[%dma_start3A_513] : memref<16001024xf32, #tpu.memory_space<hbm>> -> memref<8000512xf32, #tpu.memory_space<hbm>>
    %dma_start3A_515 = arith.constant 0 : i32
    %dma_start3A_516 = tpu.memref_slice %dma_start3A_514[%dma_start3A_515] : memref<8000512xf32, #tpu.memory_space<hbm>> -> memref<8000512xf32, #tpu.memory_space<hbm>>
    tpu.enqueue_indirect_dma source(%dma_start3A_516 : memref<8000512xf32, #tpu.memory_space<hbm>>) target(%dma_start3A_510 : memref<512xf32, #tpu.memory_space<vmem>>) offsets(%dma_start3A_512 : memref<512xi32, #tpu.memory_space<vmem>>) semaphore(%arg11 : memref<!tpu.dma_semaphore, #tpu.memory_space<semaphore_mem>>)
    %dma_start3A_517 = arith.constant 4608 : i32
    %dma_start3A_518 = tpu.memref_slice %arg8[%dma_start3A_517] : memref<8192xf32, #tpu.memory_space<vmem>> -> memref<512xf32, #tpu.memory_space<vmem>>
    %dma_start3A_519 = arith.constant 0 : i32
    %dma_start3A_520 = tpu.memref_slice %arg7[%dma_start3A_519] : memref<512xi32, #tpu.memory_space<vmem>> -> memref<512xi32, #tpu.memory_space<vmem>>
    %dma_start3A_521 = arith.constant 8000640 : i32
    %dma_start3A_522 = tpu.memref_slice %arg3[%dma_start3A_521] : memref<16001024xf32, #tpu.memory_space<hbm>> -> memref<8000384xf32, #tpu.memory_space<hbm>>
    %dma_start3A_523 = arith.constant 0 : i32
    %dma_start3A_524 = tpu.memref_slice %dma_start3A_522[%dma_start3A_523] : memref<8000384xf32, #tpu.memory_space<hbm>> -> memref<8000384xf32, #tpu.memory_space<hbm>>
    tpu.enqueue_indirect_dma source(%dma_start3A_524 : memref<8000384xf32, #tpu.memory_space<hbm>>) target(%dma_start3A_518 : memref<512xf32, #tpu.memory_space<vmem>>) offsets(%dma_start3A_520 : memref<512xi32, #tpu.memory_space<vmem>>) semaphore(%arg11 : memref<!tpu.dma_semaphore, #tpu.memory_space<semaphore_mem>>)
    %dma_start3A_525 = arith.constant 5120 : i32
    %dma_start3A_526 = tpu.memref_slice %arg8[%dma_start3A_525] : memref<8192xf32, #tpu.memory_space<vmem>> -> memref<512xf32, #tpu.memory_space<vmem>>
    %dma_start3A_527 = arith.constant 0 : i32
    %dma_start3A_528 = tpu.memref_slice %arg7[%dma_start3A_527] : memref<512xi32, #tpu.memory_space<vmem>> -> memref<512xi32, #tpu.memory_space<vmem>>
    %dma_start3A_529 = arith.constant 8000768 : i32
    %dma_start3A_530 = tpu.memref_slice %arg3[%dma_start3A_529] : memref<16001024xf32, #tpu.memory_space<hbm>> -> memref<8000256xf32, #tpu.memory_space<hbm>>
    %dma_start3A_531 = arith.constant 0 : i32
    %dma_start3A_532 = tpu.memref_slice %dma_start3A_530[%dma_start3A_531] : memref<8000256xf32, #tpu.memory_space<hbm>> -> memref<8000256xf32, #tpu.memory_space<hbm>>
    tpu.enqueue_indirect_dma source(%dma_start3A_532 : memref<8000256xf32, #tpu.memory_space<hbm>>) target(%dma_start3A_526 : memref<512xf32, #tpu.memory_space<vmem>>) offsets(%dma_start3A_528 : memref<512xi32, #tpu.memory_space<vmem>>) semaphore(%arg11 : memref<!tpu.dma_semaphore, #tpu.memory_space<semaphore_mem>>)
    %dma_start3A_533 = arith.constant 5632 : i32
    %dma_start3A_534 = tpu.memref_slice %arg8[%dma_start3A_533] : memref<8192xf32, #tpu.memory_space<vmem>> -> memref<512xf32, #tpu.memory_space<vmem>>
    %dma_start3A_535 = arith.constant 0 : i32
    %dma_start3A_536 = tpu.memref_slice %arg7[%dma_start3A_535] : memref<512xi32, #tpu.memory_space<vmem>> -> memref<512xi32, #tpu.memory_space<vmem>>
    %dma_start3A_537 = arith.constant 8000896 : i32
    %dma_start3A_538 = tpu.memref_slice %arg3[%dma_start3A_537] : memref<16001024xf32, #tpu.memory_space<hbm>> -> memref<8000128xf32, #tpu.memory_space<hbm>>
    %dma_start3A_539 = arith.constant 0 : i32
    %dma_start3A_540 = tpu.memref_slice %dma_start3A_538[%dma_start3A_539] : memref<8000128xf32, #tpu.memory_space<hbm>> -> memref<8000128xf32, #tpu.memory_space<hbm>>
    tpu.enqueue_indirect_dma source(%dma_start3A_540 : memref<8000128xf32, #tpu.memory_space<hbm>>) target(%dma_start3A_534 : memref<512xf32, #tpu.memory_space<vmem>>) offsets(%dma_start3A_536 : memref<512xi32, #tpu.memory_space<vmem>>) semaphore(%arg11 : memref<!tpu.dma_semaphore, #tpu.memory_space<semaphore_mem>>)
    %dma_start3A_541 = arith.constant 6144 : i32
    %dma_start3A_542 = tpu.memref_slice %arg8[%dma_start3A_541] : memref<8192xf32, #tpu.memory_space<vmem>> -> memref<512xf32, #tpu.memory_space<vmem>>
    %dma_start3A_543 = arith.constant 0 : i32
    %dma_start3A_544 = tpu.memref_slice %arg7[%dma_start3A_543] : memref<512xi32, #tpu.memory_space<vmem>> -> memref<512xi32, #tpu.memory_space<vmem>>
    %dma_start3A_545 = arith.constant 8001024 : i32
    %dma_start3A_546 = tpu.memref_slice %arg3[%dma_start3A_545] : memref<16001024xf32, #tpu.memory_space<hbm>> -> memref<8000000xf32, #tpu.memory_space<hbm>>
    %dma_start3A_547 = arith.constant 0 : i32
    %dma_start3A_548 = tpu.memref_slice %dma_start3A_546[%dma_start3A_547] : memref<8000000xf32, #tpu.memory_space<hbm>> -> memref<8000000xf32, #tpu.memory_space<hbm>>
    tpu.enqueue_indirect_dma source(%dma_start3A_548 : memref<8000000xf32, #tpu.memory_space<hbm>>) target(%dma_start3A_542 : memref<512xf32, #tpu.memory_space<vmem>>) offsets(%dma_start3A_544 : memref<512xi32, #tpu.memory_space<vmem>>) semaphore(%arg11 : memref<!tpu.dma_semaphore, #tpu.memory_space<semaphore_mem>>)
    %dma_start3A_549 = arith.constant 6656 : i32
    %dma_start3A_550 = tpu.memref_slice %arg8[%dma_start3A_549] : memref<8192xf32, #tpu.memory_space<vmem>> -> memref<512xf32, #tpu.memory_space<vmem>>
    %dma_start3A_551 = arith.constant 0 : i32
    %dma_start3A_552 = tpu.memref_slice %arg7[%dma_start3A_551] : memref<512xi32, #tpu.memory_space<vmem>> -> memref<512xi32, #tpu.memory_space<vmem>>
    %dma_start3A_553 = arith.constant 8001152 : i32
    %dma_start3A_554 = tpu.memref_slice %arg3[%dma_start3A_553] : memref<16001024xf32, #tpu.memory_space<hbm>> -> memref<7999872xf32, #tpu.memory_space<hbm>>
    %dma_start3A_555 = arith.constant 0 : i32
    %dma_start3A_556 = tpu.memref_slice %dma_start3A_554[%dma_start3A_555] : memref<7999872xf32, #tpu.memory_space<hbm>> -> memref<7999872xf32, #tpu.memory_space<hbm>>
    tpu.enqueue_indirect_dma source(%dma_start3A_556 : memref<7999872xf32, #tpu.memory_space<hbm>>) target(%dma_start3A_550 : memref<512xf32, #tpu.memory_space<vmem>>) offsets(%dma_start3A_552 : memref<512xi32, #tpu.memory_space<vmem>>) semaphore(%arg11 : memref<!tpu.dma_semaphore, #tpu.memory_space<semaphore_mem>>)
    %dma_start3A_557 = arith.constant 7168 : i32
    %dma_start3A_558 = tpu.memref_slice %arg8[%dma_start3A_557] : memref<8192xf32, #tpu.memory_space<vmem>> -> memref<512xf32, #tpu.memory_space<vmem>>
    %dma_start3A_559 = arith.constant 0 : i32
    %dma_start3A_560 = tpu.memref_slice %arg7[%dma_start3A_559] : memref<512xi32, #tpu.memory_space<vmem>> -> memref<512xi32, #tpu.memory_space<vmem>>
    %dma_start3A_561 = arith.constant 8001280 : i32
    %dma_start3A_562 = tpu.memref_slice %arg3[%dma_start3A_561] : memref<16001024xf32, #tpu.memory_space<hbm>> -> memref<7999744xf32, #tpu.memory_space<hbm>>
    %dma_start3A_563 = arith.constant 0 : i32
    %dma_start3A_564 = tpu.memref_slice %dma_start3A_562[%dma_start3A_563] : memref<7999744xf32, #tpu.memory_space<hbm>> -> memref<7999744xf32, #tpu.memory_space<hbm>>
    tpu.enqueue_indirect_dma source(%dma_start3A_564 : memref<7999744xf32, #tpu.memory_space<hbm>>) target(%dma_start3A_558 : memref<512xf32, #tpu.memory_space<vmem>>) offsets(%dma_start3A_560 : memref<512xi32, #tpu.memory_space<vmem>>) semaphore(%arg11 : memref<!tpu.dma_semaphore, #tpu.memory_space<semaphore_mem>>)
    %dma_start3A_565 = arith.constant 7680 : i32
    %dma_start3A_566 = tpu.memref_slice %arg8[%dma_start3A_565] : memref<8192xf32, #tpu.memory_space<vmem>> -> memref<512xf32, #tpu.memory_space<vmem>>
    %dma_start3A_567 = arith.constant 0 : i32
    %dma_start3A_568 = tpu.memref_slice %arg7[%dma_start3A_567] : memref<512xi32, #tpu.memory_space<vmem>> -> memref<512xi32, #tpu.memory_space<vmem>>
    %dma_start3A_569 = arith.constant 8001408 : i32
    %dma_start3A_570 = tpu.memref_slice %arg3[%dma_start3A_569] : memref<16001024xf32, #tpu.memory_space<hbm>> -> memref<7999616xf32, #tpu.memory_space<hbm>>
    %dma_start3A_571 = arith.constant 0 : i32
    %dma_start3A_572 = tpu.memref_slice %dma_start3A_570[%dma_start3A_571] : memref<7999616xf32, #tpu.memory_space<hbm>> -> memref<7999616xf32, #tpu.memory_space<hbm>>
    tpu.enqueue_indirect_dma source(%dma_start3A_572 : memref<7999616xf32, #tpu.memory_space<hbm>>) target(%dma_start3A_566 : memref<512xf32, #tpu.memory_space<vmem>>) offsets(%dma_start3A_568 : memref<512xi32, #tpu.memory_space<vmem>>) semaphore(%arg11 : memref<!tpu.dma_semaphore, #tpu.memory_space<semaphore_mem>>)
    %dma_wait3A = arith.constant 0 : i32
    %dma_wait3A_573 = tpu.memref_slice %arg8[%dma_wait3A] : memref<8192xf32, #tpu.memory_space<vmem>> -> memref<512xf32, #tpu.memory_space<vmem>>
    %dma_wait3A_574 = arith.constant 0 : i32
    %dma_wait3A_575 = tpu.memref_slice %arg7[%dma_wait3A_574] : memref<512xi32, #tpu.memory_space<vmem>> -> memref<512xi32, #tpu.memory_space<vmem>>
    %dma_wait3A_576 = arith.constant 0 : i32
    %dma_wait3A_577 = tpu.memref_slice %arg3[%dma_wait3A_576] : memref<16001024xf32, #tpu.memory_space<hbm>> -> memref<16001024xf32, #tpu.memory_space<hbm>>
    %dma_wait3A_578 = arith.constant 0 : i32
    %dma_wait3A_579 = tpu.memref_slice %dma_wait3A_577[%dma_wait3A_578] : memref<16001024xf32, #tpu.memory_space<hbm>> -> memref<16001024xf32, #tpu.memory_space<hbm>>
    tpu.wait_indirect_dma semaphore(%arg11 : memref<!tpu.dma_semaphore, #tpu.memory_space<semaphore_mem>>) src(%dma_wait3A_579 : memref<16001024xf32, #tpu.memory_space<hbm>>) dst(%dma_wait3A_573 : memref<512xf32, #tpu.memory_space<vmem>>)
    %dma_wait3A_580 = arith.constant 512 : i32
    %dma_wait3A_581 = tpu.memref_slice %arg8[%dma_wait3A_580] : memref<8192xf32, #tpu.memory_space<vmem>> -> memref<512xf32, #tpu.memory_space<vmem>>
    %dma_wait3A_582 = arith.constant 0 : i32
    %dma_wait3A_583 = tpu.memref_slice %arg7[%dma_wait3A_582] : memref<512xi32, #tpu.memory_space<vmem>> -> memref<512xi32, #tpu.memory_space<vmem>>
    %dma_wait3A_584 = arith.constant 128 : i32
    %dma_wait3A_585 = tpu.memref_slice %arg3[%dma_wait3A_584] : memref<16001024xf32, #tpu.memory_space<hbm>> -> memref<16000896xf32, #tpu.memory_space<hbm>>
    %dma_wait3A_586 = arith.constant 0 : i32
    %dma_wait3A_587 = tpu.memref_slice %dma_wait3A_585[%dma_wait3A_586] : memref<16000896xf32, #tpu.memory_space<hbm>> -> memref<16000896xf32, #tpu.memory_space<hbm>>
    tpu.wait_indirect_dma semaphore(%arg11 : memref<!tpu.dma_semaphore, #tpu.memory_space<semaphore_mem>>) src(%dma_wait3A_587 : memref<16000896xf32, #tpu.memory_space<hbm>>) dst(%dma_wait3A_581 : memref<512xf32, #tpu.memory_space<vmem>>)
    %dma_wait3A_588 = arith.constant 1024 : i32
    %dma_wait3A_589 = tpu.memref_slice %arg8[%dma_wait3A_588] : memref<8192xf32, #tpu.memory_space<vmem>> -> memref<512xf32, #tpu.memory_space<vmem>>
    %dma_wait3A_590 = arith.constant 0 : i32
    %dma_wait3A_591 = tpu.memref_slice %arg7[%dma_wait3A_590] : memref<512xi32, #tpu.memory_space<vmem>> -> memref<512xi32, #tpu.memory_space<vmem>>
    %dma_wait3A_592 = arith.constant 256 : i32
    %dma_wait3A_593 = tpu.memref_slice %arg3[%dma_wait3A_592] : memref<16001024xf32, #tpu.memory_space<hbm>> -> memref<16000768xf32, #tpu.memory_space<hbm>>
    %dma_wait3A_594 = arith.constant 0 : i32
    %dma_wait3A_595 = tpu.memref_slice %dma_wait3A_593[%dma_wait3A_594] : memref<16000768xf32, #tpu.memory_space<hbm>> -> memref<16000768xf32, #tpu.memory_space<hbm>>
    tpu.wait_indirect_dma semaphore(%arg11 : memref<!tpu.dma_semaphore, #tpu.memory_space<semaphore_mem>>) src(%dma_wait3A_595 : memref<16000768xf32, #tpu.memory_space<hbm>>) dst(%dma_wait3A_589 : memref<512xf32, #tpu.memory_space<vmem>>)
    %dma_wait3A_596 = arith.constant 1536 : i32
    %dma_wait3A_597 = tpu.memref_slice %arg8[%dma_wait3A_596] : memref<8192xf32, #tpu.memory_space<vmem>> -> memref<512xf32, #tpu.memory_space<vmem>>
    %dma_wait3A_598 = arith.constant 0 : i32
    %dma_wait3A_599 = tpu.memref_slice %arg7[%dma_wait3A_598] : memref<512xi32, #tpu.memory_space<vmem>> -> memref<512xi32, #tpu.memory_space<vmem>>
    %dma_wait3A_600 = arith.constant 384 : i32
    %dma_wait3A_601 = tpu.memref_slice %arg3[%dma_wait3A_600] : memref<16001024xf32, #tpu.memory_space<hbm>> -> memref<16000640xf32, #tpu.memory_space<hbm>>
    %dma_wait3A_602 = arith.constant 0 : i32
    %dma_wait3A_603 = tpu.memref_slice %dma_wait3A_601[%dma_wait3A_602] : memref<16000640xf32, #tpu.memory_space<hbm>> -> memref<16000640xf32, #tpu.memory_space<hbm>>
    tpu.wait_indirect_dma semaphore(%arg11 : memref<!tpu.dma_semaphore, #tpu.memory_space<semaphore_mem>>) src(%dma_wait3A_603 : memref<16000640xf32, #tpu.memory_space<hbm>>) dst(%dma_wait3A_597 : memref<512xf32, #tpu.memory_space<vmem>>)
    %dma_wait3A_604 = arith.constant 2048 : i32
    %dma_wait3A_605 = tpu.memref_slice %arg8[%dma_wait3A_604] : memref<8192xf32, #tpu.memory_space<vmem>> -> memref<512xf32, #tpu.memory_space<vmem>>
    %dma_wait3A_606 = arith.constant 0 : i32
    %dma_wait3A_607 = tpu.memref_slice %arg7[%dma_wait3A_606] : memref<512xi32, #tpu.memory_space<vmem>> -> memref<512xi32, #tpu.memory_space<vmem>>
    %dma_wait3A_608 = arith.constant 512 : i32
    %dma_wait3A_609 = tpu.memref_slice %arg3[%dma_wait3A_608] : memref<16001024xf32, #tpu.memory_space<hbm>> -> memref<16000512xf32, #tpu.memory_space<hbm>>
    %dma_wait3A_610 = arith.constant 0 : i32
    %dma_wait3A_611 = tpu.memref_slice %dma_wait3A_609[%dma_wait3A_610] : memref<16000512xf32, #tpu.memory_space<hbm>> -> memref<16000512xf32, #tpu.memory_space<hbm>>
    tpu.wait_indirect_dma semaphore(%arg11 : memref<!tpu.dma_semaphore, #tpu.memory_space<semaphore_mem>>) src(%dma_wait3A_611 : memref<16000512xf32, #tpu.memory_space<hbm>>) dst(%dma_wait3A_605 : memref<512xf32, #tpu.memory_space<vmem>>)
    %dma_wait3A_612 = arith.constant 2560 : i32
    %dma_wait3A_613 = tpu.memref_slice %arg8[%dma_wait3A_612] : memref<8192xf32, #tpu.memory_space<vmem>> -> memref<512xf32, #tpu.memory_space<vmem>>
    %dma_wait3A_614 = arith.constant 0 : i32
    %dma_wait3A_615 = tpu.memref_slice %arg7[%dma_wait3A_614] : memref<512xi32, #tpu.memory_space<vmem>> -> memref<512xi32, #tpu.memory_space<vmem>>
    %dma_wait3A_616 = arith.constant 640 : i32
    %dma_wait3A_617 = tpu.memref_slice %arg3[%dma_wait3A_616] : memref<16001024xf32, #tpu.memory_space<hbm>> -> memref<16000384xf32, #tpu.memory_space<hbm>>
    %dma_wait3A_618 = arith.constant 0 : i32
    %dma_wait3A_619 = tpu.memref_slice %dma_wait3A_617[%dma_wait3A_618] : memref<16000384xf32, #tpu.memory_space<hbm>> -> memref<16000384xf32, #tpu.memory_space<hbm>>
    tpu.wait_indirect_dma semaphore(%arg11 : memref<!tpu.dma_semaphore, #tpu.memory_space<semaphore_mem>>) src(%dma_wait3A_619 : memref<16000384xf32, #tpu.memory_space<hbm>>) dst(%dma_wait3A_613 : memref<512xf32, #tpu.memory_space<vmem>>)
    %dma_wait3A_620 = arith.constant 3072 : i32
    %dma_wait3A_621 = tpu.memref_slice %arg8[%dma_wait3A_620] : memref<8192xf32, #tpu.memory_space<vmem>> -> memref<512xf32, #tpu.memory_space<vmem>>
    %dma_wait3A_622 = arith.constant 0 : i32
    %dma_wait3A_623 = tpu.memref_slice %arg7[%dma_wait3A_622] : memref<512xi32, #tpu.memory_space<vmem>> -> memref<512xi32, #tpu.memory_space<vmem>>
    %dma_wait3A_624 = arith.constant 768 : i32
    %dma_wait3A_625 = tpu.memref_slice %arg3[%dma_wait3A_624] : memref<16001024xf32, #tpu.memory_space<hbm>> -> memref<16000256xf32, #tpu.memory_space<hbm>>
    %dma_wait3A_626 = arith.constant 0 : i32
    %dma_wait3A_627 = tpu.memref_slice %dma_wait3A_625[%dma_wait3A_626] : memref<16000256xf32, #tpu.memory_space<hbm>> -> memref<16000256xf32, #tpu.memory_space<hbm>>
    tpu.wait_indirect_dma semaphore(%arg11 : memref<!tpu.dma_semaphore, #tpu.memory_space<semaphore_mem>>) src(%dma_wait3A_627 : memref<16000256xf32, #tpu.memory_space<hbm>>) dst(%dma_wait3A_621 : memref<512xf32, #tpu.memory_space<vmem>>)
    %dma_wait3A_628 = arith.constant 3584 : i32
    %dma_wait3A_629 = tpu.memref_slice %arg8[%dma_wait3A_628] : memref<8192xf32, #tpu.memory_space<vmem>> -> memref<512xf32, #tpu.memory_space<vmem>>
    %dma_wait3A_630 = arith.constant 0 : i32
    %dma_wait3A_631 = tpu.memref_slice %arg7[%dma_wait3A_630] : memref<512xi32, #tpu.memory_space<vmem>> -> memref<512xi32, #tpu.memory_space<vmem>>
    %dma_wait3A_632 = arith.constant 896 : i32
    %dma_wait3A_633 = tpu.memref_slice %arg3[%dma_wait3A_632] : memref<16001024xf32, #tpu.memory_space<hbm>> -> memref<16000128xf32, #tpu.memory_space<hbm>>
    %dma_wait3A_634 = arith.constant 0 : i32
    %dma_wait3A_635 = tpu.memref_slice %dma_wait3A_633[%dma_wait3A_634] : memref<16000128xf32, #tpu.memory_space<hbm>> -> memref<16000128xf32, #tpu.memory_space<hbm>>
    tpu.wait_indirect_dma semaphore(%arg11 : memref<!tpu.dma_semaphore, #tpu.memory_space<semaphore_mem>>) src(%dma_wait3A_635 : memref<16000128xf32, #tpu.memory_space<hbm>>) dst(%dma_wait3A_629 : memref<512xf32, #tpu.memory_space<vmem>>)
    %dma_wait3A_636 = arith.constant 4096 : i32
    %dma_wait3A_637 = tpu.memref_slice %arg8[%dma_wait3A_636] : memref<8192xf32, #tpu.memory_space<vmem>> -> memref<512xf32, #tpu.memory_space<vmem>>
    %dma_wait3A_638 = arith.constant 0 : i32
    %dma_wait3A_639 = tpu.memref_slice %arg7[%dma_wait3A_638] : memref<512xi32, #tpu.memory_space<vmem>> -> memref<512xi32, #tpu.memory_space<vmem>>
    %dma_wait3A_640 = arith.constant 8000512 : i32
    %dma_wait3A_641 = tpu.memref_slice %arg3[%dma_wait3A_640] : memref<16001024xf32, #tpu.memory_space<hbm>> -> memref<8000512xf32, #tpu.memory_space<hbm>>
    %dma_wait3A_642 = arith.constant 0 : i32
    %dma_wait3A_643 = tpu.memref_slice %dma_wait3A_641[%dma_wait3A_642] : memref<8000512xf32, #tpu.memory_space<hbm>> -> memref<8000512xf32, #tpu.memory_space<hbm>>
    tpu.wait_indirect_dma semaphore(%arg11 : memref<!tpu.dma_semaphore, #tpu.memory_space<semaphore_mem>>) src(%dma_wait3A_643 : memref<8000512xf32, #tpu.memory_space<hbm>>) dst(%dma_wait3A_637 : memref<512xf32, #tpu.memory_space<vmem>>)
    %dma_wait3A_644 = arith.constant 4608 : i32
    %dma_wait3A_645 = tpu.memref_slice %arg8[%dma_wait3A_644] : memref<8192xf32, #tpu.memory_space<vmem>> -> memref<512xf32, #tpu.memory_space<vmem>>
    %dma_wait3A_646 = arith.constant 0 : i32
    %dma_wait3A_647 = tpu.memref_slice %arg7[%dma_wait3A_646] : memref<512xi32, #tpu.memory_space<vmem>> -> memref<512xi32, #tpu.memory_space<vmem>>
    %dma_wait3A_648 = arith.constant 8000640 : i32
    %dma_wait3A_649 = tpu.memref_slice %arg3[%dma_wait3A_648] : memref<16001024xf32, #tpu.memory_space<hbm>> -> memref<8000384xf32, #tpu.memory_space<hbm>>
    %dma_wait3A_650 = arith.constant 0 : i32
    %dma_wait3A_651 = tpu.memref_slice %dma_wait3A_649[%dma_wait3A_650] : memref<8000384xf32, #tpu.memory_space<hbm>> -> memref<8000384xf32, #tpu.memory_space<hbm>>
    tpu.wait_indirect_dma semaphore(%arg11 : memref<!tpu.dma_semaphore, #tpu.memory_space<semaphore_mem>>) src(%dma_wait3A_651 : memref<8000384xf32, #tpu.memory_space<hbm>>) dst(%dma_wait3A_645 : memref<512xf32, #tpu.memory_space<vmem>>)
    %dma_wait3A_652 = arith.constant 5120 : i32
    %dma_wait3A_653 = tpu.memref_slice %arg8[%dma_wait3A_652] : memref<8192xf32, #tpu.memory_space<vmem>> -> memref<512xf32, #tpu.memory_space<vmem>>
    %dma_wait3A_654 = arith.constant 0 : i32
    %dma_wait3A_655 = tpu.memref_slice %arg7[%dma_wait3A_654] : memref<512xi32, #tpu.memory_space<vmem>> -> memref<512xi32, #tpu.memory_space<vmem>>
    %dma_wait3A_656 = arith.constant 8000768 : i32
    %dma_wait3A_657 = tpu.memref_slice %arg3[%dma_wait3A_656] : memref<16001024xf32, #tpu.memory_space<hbm>> -> memref<8000256xf32, #tpu.memory_space<hbm>>
    %dma_wait3A_658 = arith.constant 0 : i32
    %dma_wait3A_659 = tpu.memref_slice %dma_wait3A_657[%dma_wait3A_658] : memref<8000256xf32, #tpu.memory_space<hbm>> -> memref<8000256xf32, #tpu.memory_space<hbm>>
    tpu.wait_indirect_dma semaphore(%arg11 : memref<!tpu.dma_semaphore, #tpu.memory_space<semaphore_mem>>) src(%dma_wait3A_659 : memref<8000256xf32, #tpu.memory_space<hbm>>) dst(%dma_wait3A_653 : memref<512xf32, #tpu.memory_space<vmem>>)
    %dma_wait3A_660 = arith.constant 5632 : i32
    %dma_wait3A_661 = tpu.memref_slice %arg8[%dma_wait3A_660] : memref<8192xf32, #tpu.memory_space<vmem>> -> memref<512xf32, #tpu.memory_space<vmem>>
    %dma_wait3A_662 = arith.constant 0 : i32
    %dma_wait3A_663 = tpu.memref_slice %arg7[%dma_wait3A_662] : memref<512xi32, #tpu.memory_space<vmem>> -> memref<512xi32, #tpu.memory_space<vmem>>
    %dma_wait3A_664 = arith.constant 8000896 : i32
    %dma_wait3A_665 = tpu.memref_slice %arg3[%dma_wait3A_664] : memref<16001024xf32, #tpu.memory_space<hbm>> -> memref<8000128xf32, #tpu.memory_space<hbm>>
    %dma_wait3A_666 = arith.constant 0 : i32
    %dma_wait3A_667 = tpu.memref_slice %dma_wait3A_665[%dma_wait3A_666] : memref<8000128xf32, #tpu.memory_space<hbm>> -> memref<8000128xf32, #tpu.memory_space<hbm>>
    tpu.wait_indirect_dma semaphore(%arg11 : memref<!tpu.dma_semaphore, #tpu.memory_space<semaphore_mem>>) src(%dma_wait3A_667 : memref<8000128xf32, #tpu.memory_space<hbm>>) dst(%dma_wait3A_661 : memref<512xf32, #tpu.memory_space<vmem>>)
    %dma_wait3A_668 = arith.constant 6144 : i32
    %dma_wait3A_669 = tpu.memref_slice %arg8[%dma_wait3A_668] : memref<8192xf32, #tpu.memory_space<vmem>> -> memref<512xf32, #tpu.memory_space<vmem>>
    %dma_wait3A_670 = arith.constant 0 : i32
    %dma_wait3A_671 = tpu.memref_slice %arg7[%dma_wait3A_670] : memref<512xi32, #tpu.memory_space<vmem>> -> memref<512xi32, #tpu.memory_space<vmem>>
    %dma_wait3A_672 = arith.constant 8001024 : i32
    %dma_wait3A_673 = tpu.memref_slice %arg3[%dma_wait3A_672] : memref<16001024xf32, #tpu.memory_space<hbm>> -> memref<8000000xf32, #tpu.memory_space<hbm>>
    %dma_wait3A_674 = arith.constant 0 : i32
    %dma_wait3A_675 = tpu.memref_slice %dma_wait3A_673[%dma_wait3A_674] : memref<8000000xf32, #tpu.memory_space<hbm>> -> memref<8000000xf32, #tpu.memory_space<hbm>>
    tpu.wait_indirect_dma semaphore(%arg11 : memref<!tpu.dma_semaphore, #tpu.memory_space<semaphore_mem>>) src(%dma_wait3A_675 : memref<8000000xf32, #tpu.memory_space<hbm>>) dst(%dma_wait3A_669 : memref<512xf32, #tpu.memory_space<vmem>>)
    %dma_wait3A_676 = arith.constant 6656 : i32
    %dma_wait3A_677 = tpu.memref_slice %arg8[%dma_wait3A_676] : memref<8192xf32, #tpu.memory_space<vmem>> -> memref<512xf32, #tpu.memory_space<vmem>>
    %dma_wait3A_678 = arith.constant 0 : i32
    %dma_wait3A_679 = tpu.memref_slice %arg7[%dma_wait3A_678] : memref<512xi32, #tpu.memory_space<vmem>> -> memref<512xi32, #tpu.memory_space<vmem>>
    %dma_wait3A_680 = arith.constant 8001152 : i32
    %dma_wait3A_681 = tpu.memref_slice %arg3[%dma_wait3A_680] : memref<16001024xf32, #tpu.memory_space<hbm>> -> memref<7999872xf32, #tpu.memory_space<hbm>>
    %dma_wait3A_682 = arith.constant 0 : i32
    %dma_wait3A_683 = tpu.memref_slice %dma_wait3A_681[%dma_wait3A_682] : memref<7999872xf32, #tpu.memory_space<hbm>> -> memref<7999872xf32, #tpu.memory_space<hbm>>
    tpu.wait_indirect_dma semaphore(%arg11 : memref<!tpu.dma_semaphore, #tpu.memory_space<semaphore_mem>>) src(%dma_wait3A_683 : memref<7999872xf32, #tpu.memory_space<hbm>>) dst(%dma_wait3A_677 : memref<512xf32, #tpu.memory_space<vmem>>)
    %dma_wait3A_684 = arith.constant 7168 : i32
    %dma_wait3A_685 = tpu.memref_slice %arg8[%dma_wait3A_684] : memref<8192xf32, #tpu.memory_space<vmem>> -> memref<512xf32, #tpu.memory_space<vmem>>
    %dma_wait3A_686 = arith.constant 0 : i32
    %dma_wait3A_687 = tpu.memref_slice %arg7[%dma_wait3A_686] : memref<512xi32, #tpu.memory_space<vmem>> -> memref<512xi32, #tpu.memory_space<vmem>>
    %dma_wait3A_688 = arith.constant 8001280 : i32
    %dma_wait3A_689 = tpu.memref_slice %arg3[%dma_wait3A_688] : memref<16001024xf32, #tpu.memory_space<hbm>> -> memref<7999744xf32, #tpu.memory_space<hbm>>
    %dma_wait3A_690 = arith.constant 0 : i32
    %dma_wait3A_691 = tpu.memref_slice %dma_wait3A_689[%dma_wait3A_690] : memref<7999744xf32, #tpu.memory_space<hbm>> -> memref<7999744xf32, #tpu.memory_space<hbm>>
    tpu.wait_indirect_dma semaphore(%arg11 : memref<!tpu.dma_semaphore, #tpu.memory_space<semaphore_mem>>) src(%dma_wait3A_691 : memref<7999744xf32, #tpu.memory_space<hbm>>) dst(%dma_wait3A_685 : memref<512xf32, #tpu.memory_space<vmem>>)
    %dma_wait3A_692 = arith.constant 7680 : i32
    %dma_wait3A_693 = tpu.memref_slice %arg8[%dma_wait3A_692] : memref<8192xf32, #tpu.memory_space<vmem>> -> memref<512xf32, #tpu.memory_space<vmem>>
    %dma_wait3A_694 = arith.constant 0 : i32
    %dma_wait3A_695 = tpu.memref_slice %arg7[%dma_wait3A_694] : memref<512xi32, #tpu.memory_space<vmem>> -> memref<512xi32, #tpu.memory_space<vmem>>
    %dma_wait3A_696 = arith.constant 8001408 : i32
    %dma_wait3A_697 = tpu.memref_slice %arg3[%dma_wait3A_696] : memref<16001024xf32, #tpu.memory_space<hbm>> -> memref<7999616xf32, #tpu.memory_space<hbm>>
    %dma_wait3A_698 = arith.constant 0 : i32
    %dma_wait3A_699 = tpu.memref_slice %dma_wait3A_697[%dma_wait3A_698] : memref<7999616xf32, #tpu.memory_space<hbm>> -> memref<7999616xf32, #tpu.memory_space<hbm>>
    tpu.wait_indirect_dma semaphore(%arg11 : memref<!tpu.dma_semaphore, #tpu.memory_space<semaphore_mem>>) src(%dma_wait3A_699 : memref<7999616xf32, #tpu.memory_space<hbm>>) dst(%dma_wait3A_693 : memref<512xf32, #tpu.memory_space<vmem>>)
    %get3A_700 = arith.constant 0 : index
    %get3A_701 = tpu.vector_load %arg9[%get3A_700] {strides = array<i32>} : memref<544xf32, #tpu.memory_space<vmem>>, vector<16xf32>,
    %get3A_702 = arith.constant 16 : index
    %get3A_703 = tpu.vector_load %arg9[%get3A_702] {strides = array<i32>} : memref<544xf32, #tpu.memory_space<vmem>>, vector<16xf32>,
    %get3A_704 = arith.constant 32 : index
    %get3A_705 = tpu.vector_load %arg9[%get3A_704] {strides = array<i32>} : memref<544xf32, #tpu.memory_space<vmem>>, vector<16xf32>,
    %get3A_706 = arith.constant 48 : index
    %get3A_707 = tpu.vector_load %arg9[%get3A_706] {strides = array<i32>} : memref<544xf32, #tpu.memory_space<vmem>>, vector<16xf32>,
    %get3A_708 = arith.constant 64 : index
    %get3A_709 = tpu.vector_load %arg9[%get3A_708] {strides = array<i32>} : memref<544xf32, #tpu.memory_space<vmem>>, vector<16xf32>,
    %get3A_710 = arith.constant 80 : index
    %get3A_711 = tpu.vector_load %arg9[%get3A_710] {strides = array<i32>} : memref<544xf32, #tpu.memory_space<vmem>>, vector<16xf32>,
    %get3A_712 = arith.constant 96 : index
    %get3A_713 = tpu.vector_load %arg9[%get3A_712] {strides = array<i32>} : memref<544xf32, #tpu.memory_space<vmem>>, vector<16xf32>,
    %get3A_714 = arith.constant 112 : index
    %get3A_715 = tpu.vector_load %arg9[%get3A_714] {strides = array<i32>} : memref<544xf32, #tpu.memory_space<vmem>>, vector<16xf32>,
    %get3A_716 = arith.constant 128 : index
    %get3A_717 = tpu.vector_load %arg9[%get3A_716] {strides = array<i32>} : memref<544xf32, #tpu.memory_space<vmem>>, vector<16xf32>,
    %get3A_718 = arith.constant 144 : index
    %get3A_719 = tpu.vector_load %arg9[%get3A_718] {strides = array<i32>} : memref<544xf32, #tpu.memory_space<vmem>>, vector<16xf32>,
    %get3A_720 = arith.constant 160 : index
    %get3A_721 = tpu.vector_load %arg9[%get3A_720] {strides = array<i32>} : memref<544xf32, #tpu.memory_space<vmem>>, vector<16xf32>,
    %get3A_722 = arith.constant 176 : index
    %get3A_723 = tpu.vector_load %arg9[%get3A_722] {strides = array<i32>} : memref<544xf32, #tpu.memory_space<vmem>>, vector<16xf32>,
    %get3A_724 = arith.constant 192 : index
    %get3A_725 = tpu.vector_load %arg9[%get3A_724] {strides = array<i32>} : memref<544xf32, #tpu.memory_space<vmem>>, vector<16xf32>,
    %get3A_726 = arith.constant 208 : index
    %get3A_727 = tpu.vector_load %arg9[%get3A_726] {strides = array<i32>} : memref<544xf32, #tpu.memory_space<vmem>>, vector<16xf32>,
    %get3A_728 = arith.constant 224 : index
    %get3A_729 = tpu.vector_load %arg9[%get3A_728] {strides = array<i32>} : memref<544xf32, #tpu.memory_space<vmem>>, vector<16xf32>,
    %get3A_730 = arith.constant 240 : index
    %get3A_731 = tpu.vector_load %arg9[%get3A_730] {strides = array<i32>} : memref<544xf32, #tpu.memory_space<vmem>>, vector<16xf32>,
    %get3A_732 = arith.constant 256 : index
    %get3A_733 = tpu.vector_load %arg9[%get3A_732] {strides = array<i32>} : memref<544xf32, #tpu.memory_space<vmem>>, vector<16xf32>,
    %get3A_734 = arith.constant 272 : index
    %get3A_735 = tpu.vector_load %arg9[%get3A_734] {strides = array<i32>} : memref<544xf32, #tpu.memory_space<vmem>>, vector<16xf32>,
    %get3A_736 = arith.constant 288 : index
    %get3A_737 = tpu.vector_load %arg9[%get3A_736] {strides = array<i32>} : memref<544xf32, #tpu.memory_space<vmem>>, vector<16xf32>,
    %get3A_738 = arith.constant 304 : index
    %get3A_739 = tpu.vector_load %arg9[%get3A_738] {strides = array<i32>} : memref<544xf32, #tpu.memory_space<vmem>>, vector<16xf32>,
    %get3A_740 = arith.constant 320 : index
    %get3A_741 = tpu.vector_load %arg9[%get3A_740] {strides = array<i32>} : memref<544xf32, #tpu.memory_space<vmem>>, vector<16xf32>,
    %get3A_742 = arith.constant 336 : index
    %get3A_743 = tpu.vector_load %arg9[%get3A_742] {strides = array<i32>} : memref<544xf32, #tpu.memory_space<vmem>>, vector<16xf32>,
    %get3A_744 = arith.constant 352 : index
    %get3A_745 = tpu.vector_load %arg9[%get3A_744] {strides = array<i32>} : memref<544xf32, #tpu.memory_space<vmem>>, vector<16xf32>,
    %get3A_746 = arith.constant 368 : index
    %get3A_747 = tpu.vector_load %arg9[%get3A_746] {strides = array<i32>} : memref<544xf32, #tpu.memory_space<vmem>>, vector<16xf32>,
    %get3A_748 = arith.constant 384 : index
    %get3A_749 = tpu.vector_load %arg9[%get3A_748] {strides = array<i32>} : memref<544xf32, #tpu.memory_space<vmem>>, vector<16xf32>,
    %get3A_750 = arith.constant 400 : index
    %get3A_751 = tpu.vector_load %arg9[%get3A_750] {strides = array<i32>} : memref<544xf32, #tpu.memory_space<vmem>>, vector<16xf32>,
    %get3A_752 = arith.constant 416 : index
    %get3A_753 = tpu.vector_load %arg9[%get3A_752] {strides = array<i32>} : memref<544xf32, #tpu.memory_space<vmem>>, vector<16xf32>,
    %get3A_754 = arith.constant 432 : index
    %get3A_755 = tpu.vector_load %arg9[%get3A_754] {strides = array<i32>} : memref<544xf32, #tpu.memory_space<vmem>>, vector<16xf32>,
    %get3A_756 = arith.constant 448 : index
    %get3A_757 = tpu.vector_load %arg9[%get3A_756] {strides = array<i32>} : memref<544xf32, #tpu.memory_space<vmem>>, vector<16xf32>,
    %get3A_758 = arith.constant 464 : index
    %get3A_759 = tpu.vector_load %arg9[%get3A_758] {strides = array<i32>} : memref<544xf32, #tpu.memory_space<vmem>>, vector<16xf32>,
    %get3A_760 = arith.constant 480 : index
    %get3A_761 = tpu.vector_load %arg9[%get3A_760] {strides = array<i32>} : memref<544xf32, #tpu.memory_space<vmem>>, vector<16xf32>,
    %get3A_762 = arith.constant 496 : index
    %get3A_763 = tpu.vector_load %arg9[%get3A_762] {strides = array<i32>} : memref<544xf32, #tpu.memory_space<vmem>>, vector<16xf32>,
    %get3A_764 = arith.constant 512 : index
    %get3A_765 = tpu.vector_load %arg9[%get3A_764] {strides = array<i32>} : memref<544xf32, #tpu.memory_space<vmem>>, vector<16xf32>,
    %get3A_766 = arith.constant 528 : index
    %get3A_767 = tpu.vector_load %arg9[%get3A_766] {strides = array<i32>} : memref<544xf32, #tpu.memory_space<vmem>>, vector<16xf32>,
    %scan3A = arith.constant 0 : i32
    %scan3A_768 = arith.constant 0 : i32
    %scan3A_769 = arith.constant 32 : i32
    %scan3A_770 = arith.addi %scan3A_768, %scan3A_769 : i32
    %scan3A_771 = arith.constant 1 : i32
    scf.for %scan3A_774 = %scan3A_768 to %scan3A_770 step %scan3A_771  : i32 {
      %mul3A_775 = arith.constant 16 : i32
      %mul3A_776 = arith.muli %scan3A_774, %mul3A_775 : i32
      %add3A_777 = arith.constant 0 : i32
      %add3A_778 = arith.addi %add3A_777, %mul3A_776 : i32
      %get3A_779 = arith.index_cast %add3A_778 : i32 to index
      %get3A_780 = tpu.vector_load %arg8[%get3A_779] {strides = array<i32>} : memref<8192xf32, #tpu.memory_space<vmem>>, vector<16xf32>,
      %mul3A_781 = arith.mulf %get3A_780, %get3A_701 : vector<16xf32>
      %add3A_782 = arith.addf %get3A_765, %mul3A_781 : vector<16xf32>
      %mul3A_783 = arith.mulf %get3A_780, %get3A_703 : vector<16xf32>
      %add3A_784 = arith.addf %get3A_767, %mul3A_783 : vector<16xf32>
      %add3A_785 = arith.constant 512 : i32
      %add3A_786 = arith.addi %add3A_785, %mul3A_776 : i32
      %get3A_787 = arith.index_cast %add3A_786 : i32 to index
      %get3A_788 = tpu.vector_load %arg8[%get3A_787] {strides = array<i32>} : memref<8192xf32, #tpu.memory_space<vmem>>, vector<16xf32>,
      %mul3A_789 = arith.mulf %get3A_788, %get3A_705 : vector<16xf32>
      %add3A_790 = arith.addf %add3A_782, %mul3A_789 : vector<16xf32>
      %mul3A_791 = arith.mulf %get3A_788, %get3A_707 : vector<16xf32>
      %add3A_792 = arith.addf %add3A_784, %mul3A_791 : vector<16xf32>
      %add3A_793 = arith.constant 1024 : i32
      %add3A_794 = arith.addi %add3A_793, %mul3A_776 : i32
      %get3A_795 = arith.index_cast %add3A_794 : i32 to index
      %get3A_796 = tpu.vector_load %arg8[%get3A_795] {strides = array<i32>} : memref<8192xf32, #tpu.memory_space<vmem>>, vector<16xf32>,
      %mul3A_797 = arith.mulf %get3A_796, %get3A_709 : vector<16xf32>
      %add3A_798 = arith.addf %add3A_790, %mul3A_797 : vector<16xf32>
      %mul3A_799 = arith.mulf %get3A_796, %get3A_711 : vector<16xf32>
      %add3A_800 = arith.addf %add3A_792, %mul3A_799 : vector<16xf32>
      %add3A_801 = arith.constant 1536 : i32
      %add3A_802 = arith.addi %add3A_801, %mul3A_776 : i32
      %get3A_803 = arith.index_cast %add3A_802 : i32 to index
      %get3A_804 = tpu.vector_load %arg8[%get3A_803] {strides = array<i32>} : memref<8192xf32, #tpu.memory_space<vmem>>, vector<16xf32>,
      %mul3A_805 = arith.mulf %get3A_804, %get3A_713 : vector<16xf32>
      %add3A_806 = arith.addf %add3A_798, %mul3A_805 : vector<16xf32>
      %mul3A_807 = arith.mulf %get3A_804, %get3A_715 : vector<16xf32>
      %add3A_808 = arith.addf %add3A_800, %mul3A_807 : vector<16xf32>
      %add3A_809 = arith.constant 2048 : i32
      %add3A_810 = arith.addi %add3A_809, %mul3A_776 : i32
      %get3A_811 = arith.index_cast %add3A_810 : i32 to index
      %get3A_812 = tpu.vector_load %arg8[%get3A_811] {strides = array<i32>} : memref<8192xf32, #tpu.memory_space<vmem>>, vector<16xf32>,
      %mul3A_813 = arith.mulf %get3A_812, %get3A_717 : vector<16xf32>
      %add3A_814 = arith.addf %add3A_806, %mul3A_813 : vector<16xf32>
      %mul3A_815 = arith.mulf %get3A_812, %get3A_719 : vector<16xf32>
      %add3A_816 = arith.addf %add3A_808, %mul3A_815 : vector<16xf32>
      %add3A_817 = arith.constant 2560 : i32
      %add3A_818 = arith.addi %add3A_817, %mul3A_776 : i32
      %get3A_819 = arith.index_cast %add3A_818 : i32 to index
      %get3A_820 = tpu.vector_load %arg8[%get3A_819] {strides = array<i32>} : memref<8192xf32, #tpu.memory_space<vmem>>, vector<16xf32>,
      %mul3A_821 = arith.mulf %get3A_820, %get3A_721 : vector<16xf32>
      %add3A_822 = arith.addf %add3A_814, %mul3A_821 : vector<16xf32>
      %mul3A_823 = arith.mulf %get3A_820, %get3A_723 : vector<16xf32>
      %add3A_824 = arith.addf %add3A_816, %mul3A_823 : vector<16xf32>
      %add3A_825 = arith.constant 3072 : i32
      %add3A_826 = arith.addi %add3A_825, %mul3A_776 : i32
      %get3A_827 = arith.index_cast %add3A_826 : i32 to index
      %get3A_828 = tpu.vector_load %arg8[%get3A_827] {strides = array<i32>} : memref<8192xf32, #tpu.memory_space<vmem>>, vector<16xf32>,
      %mul3A_829 = arith.mulf %get3A_828, %get3A_725 : vector<16xf32>
      %add3A_830 = arith.addf %add3A_822, %mul3A_829 : vector<16xf32>
      %mul3A_831 = arith.mulf %get3A_828, %get3A_727 : vector<16xf32>
      %add3A_832 = arith.addf %add3A_824, %mul3A_831 : vector<16xf32>
      %add3A_833 = arith.constant 3584 : i32
      %add3A_834 = arith.addi %add3A_833, %mul3A_776 : i32
      %get3A_835 = arith.index_cast %add3A_834 : i32 to index
      %get3A_836 = tpu.vector_load %arg8[%get3A_835] {strides = array<i32>} : memref<8192xf32, #tpu.memory_space<vmem>>, vector<16xf32>,
      %mul3A_837 = arith.mulf %get3A_836, %get3A_729 : vector<16xf32>
      %add3A_838 = arith.addf %add3A_830, %mul3A_837 : vector<16xf32>
      %mul3A_839 = arith.mulf %get3A_836, %get3A_731 : vector<16xf32>
      %add3A_840 = arith.addf %add3A_832, %mul3A_839 : vector<16xf32>
      %add3A_841 = arith.constant 4096 : i32
      %add3A_842 = arith.addi %add3A_841, %mul3A_776 : i32
      %get3A_843 = arith.index_cast %add3A_842 : i32 to index
      %get3A_844 = tpu.vector_load %arg8[%get3A_843] {strides = array<i32>} : memref<8192xf32, #tpu.memory_space<vmem>>, vector<16xf32>,
      %mul3A_845 = arith.mulf %get3A_844, %get3A_733 : vector<16xf32>
      %add3A_846 = arith.addf %add3A_838, %mul3A_845 : vector<16xf32>
      %mul3A_847 = arith.mulf %get3A_844, %get3A_735 : vector<16xf32>
      %add3A_848 = arith.addf %add3A_840, %mul3A_847 : vector<16xf32>
      %add3A_849 = arith.constant 4608 : i32
      %add3A_850 = arith.addi %add3A_849, %mul3A_776 : i32
      %get3A_851 = arith.index_cast %add3A_850 : i32 to index
      %get3A_852 = tpu.vector_load %arg8[%get3A_851] {strides = array<i32>} : memref<8192xf32, #tpu.memory_space<vmem>>, vector<16xf32>,
      %mul3A_853 = arith.mulf %get3A_852, %get3A_737 : vector<16xf32>
      %add3A_854 = arith.addf %add3A_846, %mul3A_853 : vector<16xf32>
      %mul3A_855 = arith.mulf %get3A_852, %get3A_739 : vector<16xf32>
      %add3A_856 = arith.addf %add3A_848, %mul3A_855 : vector<16xf32>
      %add3A_857 = arith.constant 5120 : i32
      %add3A_858 = arith.addi %add3A_857, %mul3A_776 : i32
      %get3A_859 = arith.index_cast %add3A_858 : i32 to index
      %get3A_860 = tpu.vector_load %arg8[%get3A_859] {strides = array<i32>} : memref<8192xf32, #tpu.memory_space<vmem>>, vector<16xf32>,
      %mul3A_861 = arith.mulf %get3A_860, %get3A_741 : vector<16xf32>
      %add3A_862 = arith.addf %add3A_854, %mul3A_861 : vector<16xf32>
      %mul3A_863 = arith.mulf %get3A_860, %get3A_743 : vector<16xf32>
      %add3A_864 = arith.addf %add3A_856, %mul3A_863 : vector<16xf32>
      %add3A_865 = arith.constant 5632 : i32
      %add3A_866 = arith.addi %add3A_865, %mul3A_776 : i32
      %get3A_867 = arith.index_cast %add3A_866 : i32 to index
      %get3A_868 = tpu.vector_load %arg8[%get3A_867] {strides = array<i32>} : memref<8192xf32, #tpu.memory_space<vmem>>, vector<16xf32>,
      %mul3A_869 = arith.mulf %get3A_868, %get3A_745 : vector<16xf32>
      %add3A_870 = arith.addf %add3A_862, %mul3A_869 : vector<16xf32>
      %mul3A_871 = arith.mulf %get3A_868, %get3A_747 : vector<16xf32>
      %add3A_872 = arith.addf %add3A_864, %mul3A_871 : vector<16xf32>
      %add3A_873 = arith.constant 6144 : i32
      %add3A_874 = arith.addi %add3A_873, %mul3A_776 : i32
      %get3A_875 = arith.index_cast %add3A_874 : i32 to index
      %get3A_876 = tpu.vector_load %arg8[%get3A_875] {strides = array<i32>} : memref<8192xf32, #tpu.memory_space<vmem>>, vector<16xf32>,
      %mul3A_877 = arith.mulf %get3A_876, %get3A_749 : vector<16xf32>
      %add3A_878 = arith.addf %add3A_870, %mul3A_877 : vector<16xf32>
      %mul3A_879 = arith.mulf %get3A_876, %get3A_751 : vector<16xf32>
      %add3A_880 = arith.addf %add3A_872, %mul3A_879 : vector<16xf32>
      %add3A_881 = arith.constant 6656 : i32
      %add3A_882 = arith.addi %add3A_881, %mul3A_776 : i32
      %get3A_883 = arith.index_cast %add3A_882 : i32 to index
      %get3A_884 = tpu.vector_load %arg8[%get3A_883] {strides = array<i32>} : memref<8192xf32, #tpu.memory_space<vmem>>, vector<16xf32>,
      %mul3A_885 = arith.mulf %get3A_884, %get3A_753 : vector<16xf32>
      %add3A_886 = arith.addf %add3A_878, %mul3A_885 : vector<16xf32>
      %mul3A_887 = arith.mulf %get3A_884, %get3A_755 : vector<16xf32>
      %add3A_888 = arith.addf %add3A_880, %mul3A_887 : vector<16xf32>
      %add3A_889 = arith.constant 7168 : i32
      %add3A_890 = arith.addi %add3A_889, %mul3A_776 : i32
      %get3A_891 = arith.index_cast %add3A_890 : i32 to index
      %get3A_892 = tpu.vector_load %arg8[%get3A_891] {strides = array<i32>} : memref<8192xf32, #tpu.memory_space<vmem>>, vector<16xf32>,
      %mul3A_893 = arith.mulf %get3A_892, %get3A_757 : vector<16xf32>
      %add3A_894 = arith.addf %add3A_886, %mul3A_893 : vector<16xf32>
      %mul3A_895 = arith.mulf %get3A_892, %get3A_759 : vector<16xf32>
      %add3A_896 = arith.addf %add3A_888, %mul3A_895 : vector<16xf32>
      %add3A_897 = arith.constant 7680 : i32
      %add3A_898 = arith.addi %add3A_897, %mul3A_776 : i32
      %get3A_899 = arith.index_cast %add3A_898 : i32 to index
      %get3A_900 = tpu.vector_load %arg8[%get3A_899] {strides = array<i32>} : memref<8192xf32, #tpu.memory_space<vmem>>, vector<16xf32>,
      %mul3A_901 = arith.mulf %get3A_900, %get3A_761 : vector<16xf32>
      %add3A_902 = arith.addf %add3A_894, %mul3A_901 : vector<16xf32>
      %mul3A_903 = arith.mulf %get3A_900, %get3A_763 : vector<16xf32>
      %add3A_904 = arith.addf %add3A_896, %mul3A_903 : vector<16xf32>
      %swap3A_905 = arith.index_cast %mul3A_776 : i32 to index
      %swap3A_906 = tpu.vector_load %arg10[%swap3A_905] {strides = array<i32>} : memref<1024xf32, #tpu.memory_space<vmem>>, vector<16xf32>,
      tpu.vector_store %arg10[%swap3A_905], %add3A_902 {strides = array<i32>} : memref<1024xf32, #tpu.memory_space<vmem>>, vector<16xf32>,
      %add3A_907 = arith.constant 512 : i32
      %add3A_908 = arith.addi %add3A_907, %mul3A_776 : i32
      %swap3A_909 = arith.index_cast %add3A_908 : i32 to index
      %swap3A_910 = tpu.vector_load %arg10[%swap3A_909] {strides = array<i32>} : memref<1024xf32, #tpu.memory_space<vmem>>, vector<16xf32>,
      tpu.vector_store %arg10[%swap3A_909], %add3A_904 {strides = array<i32>} : memref<1024xf32, #tpu.memory_space<vmem>>, vector<16xf32>,
    }
    %scan3A_772 = arith.constant 32 : i32
    %run_scoped3A = arith.constant 0 : i32
    "tpu.region"() ({
      %run_scoped3A_774 = tpu.sem_alloc : memref<!tpu.dma_semaphore, #tpu.memory_space<semaphore_mem>>
      %dma_start3A_775 = arith.constant 0 : i32
      %dma_start3A_776 = tpu.memref_slice %arg10[%dma_start3A_775] : memref<1024xf32, #tpu.memory_space<vmem>> -> memref<512xf32, #tpu.memory_space<vmem>>
      %dma_start3A_777 = tpu.memref_slice %arg5[%run_scoped3A, %mul3A_2] : memref<2x16384xf32, #tpu.memory_space<hbm>> -> memref<1x512xf32, #tpu.memory_space<hbm>>
      %dma_start3A_778 = tpu.memref_squeeze %dma_start3A_777 : memref<1x512xf32, #tpu.memory_space<hbm>> -> memref<512xf32, #tpu.memory_space<hbm>>
      %dma_start3A_779 = tpu.memref_slice %arg5[%run_scoped3A, %mul3A_2] : memref<2x16384xf32, #tpu.memory_space<hbm>> -> memref<1x512xf32, #tpu.memory_space<hbm>>
      %dma_start3A_780 = tpu.memref_squeeze %dma_start3A_779 : memref<1x512xf32, #tpu.memory_space<hbm>> -> memref<512xf32, #tpu.memory_space<hbm>>
      %dma_start3A_781 = arith.constant 0 : i32
      %dma_start3A_782 = tpu.memref_slice %arg10[%dma_start3A_781] : memref<1024xf32, #tpu.memory_space<vmem>> -> memref<512xf32, #tpu.memory_space<vmem>>
      tpu.enqueue_dma source(%dma_start3A_782 : memref<512xf32, #tpu.memory_space<vmem>>) target(%dma_start3A_780 : memref<512xf32, #tpu.memory_space<hbm>>) target_semaphore(%run_scoped3A_774 : memref<!tpu.dma_semaphore, #tpu.memory_space<semaphore_mem>>)
      %dma_wait3A_783 = arith.constant 0 : i32
      %dma_wait3A_784 = tpu.memref_slice %arg10[%dma_wait3A_783] : memref<1024xf32, #tpu.memory_space<vmem>> -> memref<512xf32, #tpu.memory_space<vmem>>
      %dma_wait3A_785 = tpu.memref_slice %arg5[%run_scoped3A, %mul3A_2] : memref<2x16384xf32, #tpu.memory_space<hbm>> -> memref<1x512xf32, #tpu.memory_space<hbm>>
      %dma_wait3A_786 = tpu.memref_squeeze %dma_wait3A_785 : memref<1x512xf32, #tpu.memory_space<hbm>> -> memref<512xf32, #tpu.memory_space<hbm>>
      %dma_wait3A_787 = tpu.memref_slice %arg5[%run_scoped3A, %mul3A_2] : memref<2x16384xf32, #tpu.memory_space<hbm>> -> memref<1x512xf32, #tpu.memory_space<hbm>>
      %dma_wait3A_788 = tpu.memref_squeeze %dma_wait3A_787 : memref<1x512xf32, #tpu.memory_space<hbm>> -> memref<512xf32, #tpu.memory_space<hbm>>
      %dma_wait3A_789 = arith.constant 0 : i32
      %dma_wait3A_790 = tpu.memref_slice %arg10[%dma_wait3A_789] : memref<1024xf32, #tpu.memory_space<vmem>> -> memref<512xf32, #tpu.memory_space<vmem>>
      tpu.wait_dma2 semaphore(%run_scoped3A_774 : memref<!tpu.dma_semaphore, #tpu.memory_space<semaphore_mem>>) src(%dma_wait3A_790 : memref<512xf32, #tpu.memory_space<vmem>>) dst(%dma_wait3A_788 : memref<512xf32, #tpu.memory_space<hbm>>)
      tpu.yield
    }) : () -> ()
    %run_scoped3A_773 = arith.constant 1 : i32
    "tpu.region"() ({
      %run_scoped3A_774 = tpu.sem_alloc : memref<!tpu.dma_semaphore, #tpu.memory_space<semaphore_mem>>
      %dma_start3A_775 = arith.constant 512 : i32
      %dma_start3A_776 = tpu.memref_slice %arg10[%dma_start3A_775] : memref<1024xf32, #tpu.memory_space<vmem>> -> memref<512xf32, #tpu.memory_space<vmem>>
      %dma_start3A_777 = tpu.memref_slice %arg5[%run_scoped3A_773, %mul3A_2] : memref<2x16384xf32, #tpu.memory_space<hbm>> -> memref<1x512xf32, #tpu.memory_space<hbm>>
      %dma_start3A_778 = tpu.memref_squeeze %dma_start3A_777 : memref<1x512xf32, #tpu.memory_space<hbm>> -> memref<512xf32, #tpu.memory_space<hbm>>
      %dma_start3A_779 = tpu.memref_slice %arg5[%run_scoped3A_773, %mul3A_2] : memref<2x16384xf32, #tpu.memory_space<hbm>> -> memref<1x512xf32, #tpu.memory_space<hbm>>
      %dma_start3A_780 = tpu.memref_squeeze %dma_start3A_779 : memref<1x512xf32, #tpu.memory_space<hbm>> -> memref<512xf32, #tpu.memory_space<hbm>>
      %dma_start3A_781 = arith.constant 512 : i32
      %dma_start3A_782 = tpu.memref_slice %arg10[%dma_start3A_781] : memref<1024xf32, #tpu.memory_space<vmem>> -> memref<512xf32, #tpu.memory_space<vmem>>
      tpu.enqueue_dma source(%dma_start3A_782 : memref<512xf32, #tpu.memory_space<vmem>>) target(%dma_start3A_780 : memref<512xf32, #tpu.memory_space<hbm>>) target_semaphore(%run_scoped3A_774 : memref<!tpu.dma_semaphore, #tpu.memory_space<semaphore_mem>>)
      %dma_wait3A_783 = arith.constant 512 : i32
      %dma_wait3A_784 = tpu.memref_slice %arg10[%dma_wait3A_783] : memref<1024xf32, #tpu.memory_space<vmem>> -> memref<512xf32, #tpu.memory_space<vmem>>
      %dma_wait3A_785 = tpu.memref_slice %arg5[%run_scoped3A_773, %mul3A_2] : memref<2x16384xf32, #tpu.memory_space<hbm>> -> memref<1x512xf32, #tpu.memory_space<hbm>>
      %dma_wait3A_786 = tpu.memref_squeeze %dma_wait3A_785 : memref<1x512xf32, #tpu.memory_space<hbm>> -> memref<512xf32, #tpu.memory_space<hbm>>
      %dma_wait3A_787 = tpu.memref_slice %arg5[%run_scoped3A_773, %mul3A_2] : memref<2x16384xf32, #tpu.memory_space<hbm>> -> memref<1x512xf32, #tpu.memory_space<hbm>>
      %dma_wait3A_788 = tpu.memref_squeeze %dma_wait3A_787 : memref<1x512xf32, #tpu.memory_space<hbm>> -> memref<512xf32, #tpu.memory_space<hbm>>
      %dma_wait3A_789 = arith.constant 512 : i32
      %dma_wait3A_790 = tpu.memref_slice %arg10[%dma_wait3A_789] : memref<1024xf32, #tpu.memory_space<vmem>> -> memref<512xf32, #tpu.memory_space<vmem>>
      tpu.wait_dma2 semaphore(%run_scoped3A_774 : memref<!tpu.dma_semaphore, #tpu.memory_space<semaphore_mem>>) src(%dma_wait3A_790 : memref<512xf32, #tpu.memory_space<vmem>>) dst(%dma_wait3A_788 : memref<512xf32, #tpu.memory_space<hbm>>)
      tpu.yield
    }) : () -> ()
    return
  }
}

</mosaic_0001>

<sc_bundles>
// kernel: kernel.3.cloned.1.call-start
scs
__scs_entry_jumppad:
0x0: {  	(pc) =	sbr.rel $0x88, $3  }
0x1: {  	(tag) =	ssettag $0x0;
	lr =	simm.s32 $0x1  }
0x2: {  	[smem:$0x3F9D] =	sst lr;
	_ =	strace $0xD0000000  }
0x3: {  	_ = 	snop  }
0x4: {  	_ = 	snop  }
0x5: {  	_ = 	snop  }
0x6: {  	_ = 	snop  }
0x7: {  	_ = 	snop  }
__scs_overlays_trampoline_lowered:
0x8: {  	[smem:$0x3FAC] =	sst s0  }
0x9: {  	[smem:$0x3FAD] =	sst s1  }
0xa: {  	[smem:$0x3FAE] =	sst s2  }
0xb: {  	[smem:$0x3FAF] =	sst s3  }
0xc: {  	[smem:$0x3FB0] =	sst s4  }
0xd: {  	[smem:$0x3FB1] =	sst s5  }
0xe: {  	[smem:$0x3FB2] =	sst s6  }
0xf: {  	[smem:$0x3FB3] =	sst s7  }
0x10: {  	[smem:$0x3FB4] =	sst s8  }
0x11: {  	[smem:$0x3FB5] =	sst s9;
	s0 =	simm.s32 @!p0 $0x0  }
0x12: {  	s1 =	sld [smem:$0x3F9B];
	s0 =	simm.s32 @p0 $0x1  }
0x13: {  	[smem:$0x3FB6] =	sst s0;
	s0 =	simm.s32 @!p1 $0x0  }
0x14: {  	s2 =	sld [smem:$0x3F9A];
	s0 =	simm.s32 @p1 $0x1  }
0x15: {  	[smem:$0x3FB7] =	sst s0;
	s0 =	simm.s32 @!p2 $0x0  }
0x16: {  	s3 =	sld [smem:$0x3FDB];
	s0 =	simm.s32 @p2 $0x1  }
0x17: {  	s4 =	simm.s32 $0x1BF5;
	[smem:$0x3FB9] =	sst s0  }
0x18: {  	s0 =	sld [smem:$0x3F9C];
	_ =	swait.ge [sflag:s4], $0x0  }
0x19: {  	s7 =	sld [smem:$0x3F9D]  }
0x1a: {  	s8 =	sadd.s32 $0xFFFFE003, lr  }
0x1b: {  	s9 =	sadd.s32 $0xFFFFFEF7, lr;
	s5 =	simm.s32 $0xFFFFFFFF;
	p2 =	slt.u32 s8, $0xFFFFF086  }
0x1c: {  	p1 =	slt.u32 s9, $0xF7A;
	s5 =	simm.s32 @!p2 $0x0  }
0x1d: {  	s5 =	simm.s32 @p1 $0x1;
	p0 =	seq.s32 s7, s2  }
0x1e: {  	s7 =	smul.u32 @!p0 $0xF7A, s2;
	p2 =	seq.s32 @!p0 s5, $0x0  }
0x1f: {  	s9 =	smul.u32 $0xF7A, s1;
	s8 =	simm.s32 @!p0 $0x1BF5;
	p2 =	por !p2, p0  }
0x20: {  	[sflag:s8] =	ssyncset.s32 @!p0 $0xFFFFF086;
	s6 =	sadd.s32 @!p0 s3, s7;
	s7 =	simm.s32 @!p0 $0x108  }
0x21: {  	s3 =	sadd.s32 s3, s9;
	s6 =	sadd.s32 @!p0 $0x88, s6;
	s7 =	simm.s32 @p2 $0x1082  }
0x22: {  	[simem:s7], [sflag:s8] =	dma.local @!p0 [hbm:s6], $0xF7A  }
0x23: {  	s9 =	sor.u32 $0xD0000000, s2;
	s6 =	simm.s32 $0x108;
	_ =	swait.ge @!p0 [sflag:s8], $0x0  }
0x24: {  	s3 =	sadd.s32 $0x88, s3;
	s6 =	simm.s32 @!p1 $0x1082;
	[sflag:s4] =	ssyncset.s32 $0xFFFFF086  }
0x25: {  	[simem:s6], [sflag:s4] =	dma.local [hbm:s3], $0xF7A  }
0x26: {  	[smem:$0x3F9D] =	sst s1;
	(tag) =	ssettag s2;
	_ =	strace s9  }
0x27: {  	s1 =	sld [smem:$0x3FAD]  }
0x28: {  	s2 =	sld [smem:$0x3FAE]  }
0x29: {  	s4 =	sld [smem:$0x3FB0]  }
0x2a: {  	p0 =	seq.s32 s5, $0x0;
	s5 =	sld [smem:$0x3FB1]  }
0x2b: {  	s6 =	sld [smem:$0x3FB2]  }
0x2c: {  	s7 =	sld [smem:$0x3FB3]  }
0x2d: {  	s3 =	simm.s32 $0x108;
	s8 =	sld [smem:$0x3FB4]  }
0x2e: {  	s3 =	simm.s32 @!p0 $0x1082;
	s9 =	sld [smem:$0x3FB5]  }
0x2f: {  	lr =	sadd.s32 s0, s3;
	s0 =	sld [smem:$0x3FAC]  }
0x30: {  	s3 =	sld [smem:$0x3FAF]  }
0x31: {  	[smem:$0x3FB8] =	sst s10  }
0x32: {  	s10 =	sld [smem:$0x3FB6];
	_ =	sdelay $0x3  }
0x33: {  	p0 =	seq.s32 s10, $0x1;
	s10 =	sld [smem:$0x3FB8];
	_ =	sdelay $0x3  }
0x34: {  	[smem:$0x3FB8] =	sst s10  }
0x35: {  	s10 =	sld [smem:$0x3FB7];
	_ =	sdelay $0x3  }
0x36: {  	p1 =	seq.s32 s10, $0x1;
	s10 =	sld [smem:$0x3FB8];
	_ =	sdelay $0x3  }
0x37: {  	[smem:$0x3FB8] =	sst s10  }
0x38: {  	s10 =	sld [smem:$0x3FB9]  }
0x39: {  	_ = 	snop;
	(pc) =	sbr.ind lr, $3  }
0x3a: {  	_ = 	snop  }
0x3b: {  	_ = 	snop  }
0x3c: {  	p2 =	seq.s32 s10, $0x1;
	s10 =	sld [smem:$0x3FB8]  }
0x3d: {  	_ =	shalt  }
0x3e: {  	_ =	shalt  }
0x3f: {  	_ =	shalt  }
0x40: {  	_ =	shalt  }
0x41: {  	_ =	shalt  }
0x42: {  	_ =	shalt  }
0x43: {  	_ =	shalt  }
0x44: {  	_ =	shalt  }
0x45: {  	_ =	shalt  }
0x46: {  	_ =	shalt  }
0x47: {  	_ =	shalt  }
0x48: {  	_ =	shalt  }
0x49: {  	_ =	shalt  }
0x4a: {  	_ =	shalt  }
0x4b: {  	_ =	shalt  }
0x4c: {  	_ =	shalt  }
0x4d: {  	_ =	shalt  }
0x4e: {  	_ =	shalt  }
0x4f: {  	_ =	shalt  }
0x50: {  	_ =	shalt  }
0x51: {  	_ =	shalt  }
0x52: {  	_ =	shalt  }
0x53: {  	_ =	shalt  }
0x54: {  	_ =	shalt  }
0x55: {  	_ =	shalt  }
0x56: {  	_ =	shalt  }
0x57: {  	_ =	shalt  }
0x58: {  	_ =	shalt  }
0x59: {  	_ =	shalt  }
0x5a: {  	_ =	shalt  }
0x5b: {  	_ =	shalt  }
0x5c: {  	_ =	shalt  }
0x5d: {  	_ =	shalt  }
0x5e: {  	_ =	shalt  }
0x5f: {  	_ =	shalt  }
0x60: {  	_ =	shalt  }
0x61: {  	_ =	shalt  }
0x62: {  	_ =	shalt  }
0x63: {  	_ =	shalt  }
0x64: {  	_ =	shalt  }
0x65: {  	_ =	shalt  }
0x66: {  	_ =	shalt  }
0x67: {  	_ =	shalt  }
0x68: {  	_ =	shalt  }
0x69: {  	_ =	shalt  }
0x6a: {  	_ =	shalt  }
0x6b: {  	_ =	shalt  }
0x6c: {  	_ =	shalt  }
0x6d: {  	_ =	shalt  }
0x6e: {  	_ =	shalt  }
0x6f: {  	_ =	shalt  }
0x70: {  	_ =	shalt  }
0x71: {  	_ =	shalt  }
0x72: {  	_ =	shalt  }
0x73: {  	_ =	shalt  }
0x74: {  	_ =	shalt  }
0x75: {  	_ =	shalt  }
0x76: {  	_ =	shalt  }
0x77: {  	_ =	shalt  }
0x78: {  	_ =	shalt  }
0x79: {  	_ =	shalt  }
0x7a: {  	_ =	shalt  }
0x7b: {  	_ =	shalt  }
0x7c: {  	_ =	shalt  }
0x7d: {  	_ =	shalt  }
0x7e: {  	_ =	shalt  }
0x7f: {  	_ =	shalt  }
0x80: {  	_ =	shalt  }
0x81: {  	_ =	shalt  }
0x82: {  	_ =	shalt  }
0x83: {  	_ =	shalt  }
0x84: {  	_ =	shalt  }
0x85: {  	_ =	shalt  }
0x86: {  	_ =	shalt  }
0x87: {  	_ =	shalt  }
.Lfunc_end0:
.L_simem_size_0:
called_computation_lowered:
.L_overlay_start_0:
0x88: {  	s2 =	sld [smem:$0x3FD9]  }
0x89: {  	s3 =	sld [smem:$0x3FFE];
	_ =	sdelay $0x1  }
0x8a: {  	s1 =	srdreg.scid  }
0x8b: {  	s0 =	sand.u32 $0x1, s1  }
0x8c: {  	s17 =	sshll.u32 s0, $0xA;
	s2 =	sadd.s32 s3, s2  }
0x8d: {  	s2 =	sadd.s32 s2, s17  }
0x8e: {  	[smem:$0x3FC4] =	sst s2  }
0x8f: {  	_ = 	snop  }
0x90: {  	s2 =	sld [smem:$0x3FD0];
	(tm) =	ssettm $0x1  }
0x91: {  	s18 =	sld [smem:$0x3FFB];
	_ =	sdelay $0x3  }
0x92: {  	_ =	strace s18  }
0x93: {  	s3 =	sld [smem:$0x3FFC];
	_ =	sdelay $0x3  }
0x94: {  	_ =	strace s3  }
0x95: {  	s3 =	sld [smem:$0x3FFD];
	_ =	sdelay $0x3  }
0x96: {  	_ =	strace s3  }
0x97: {  	_ =	strace $0x8FFFFFFF  }
0x98: {  	s19 =	sld [smem:$0x3FDB];
	_ =	sdelay $0x1  }
0x99: {  	s4 =	simm.s32 $_scs_section_size  }
0x9a: {  	s5 =	simm.s32 $_size__tile_overlayer_lowered;
	s6 =	simm.s32 $_tile_overlayer_lowered  }
0x9b: {  	s22 =	simm.s32 $0x1BFF;
	s21 =	sshll.u32 s6, $0x1;
	s3 =	sadd.s32 s4, s19  }
0x9c: {  	s7 =	simm.s32 $0x0;
	s20 =	sshll.u32 s5, $0x1;
	s5 =	sadd.s32 s21, s3  }
0x9d: {  	[timem:s7], [sflag:s22] =	dma.local [hbm:s5], s20  }
0x9e: {  	_ =	swait.ge [sflag:s22], s20  }
0x9f: {  	s4 =	ssub.s32 $0x0, s20;
	[sflag:s22] =	ssyncset.done $0x0  }
0xa0: {  	[sflag:s22] =	ssyncadd.s32 s4;
	_ =	sdelay $0x1  }
0xa1: {  	s23 =	simm.s32 $0x1B8B  }
0xa2: {  	_ =	swait.ge [sflag:s23], $0x1  }
0xa3: {  	[sflag:s23] =	ssyncset.done $0x0  }
0xa4: {  	s25 =	simm.s32 $0x1B8E;
	s24 =	sld [smem:$0x3FFE];
	[sflag:s23] =	ssyncadd.s32 $0xFFFFFFFF  }
0xa5: {  	s26 =	simm.s32 $execute0_lowered;
	[smem:$0x3FD2] =	sst s25  }
0xa6: {  	s5 =	sshll.u32 s26, $0x1;
	_ =	strace $0x80000046;
	[dreg:$0x1] =	wrdreg $0xFFFFFFFF  }
0xa7: {  	s28 =	simm.s32 $_size_execute0_lowered;
	s3 =	sadd.s32 s3, s5;
	[dreg:$0x0] =	wrdreg $0x0  }
0xa8: {  	s5 =	sshll.u32 s28, $0x1;
	[dreg:$0x2] =	wrdreg s3  }
0xa9: {  	[dreg:$0x3] =	wrdreg s5  }
0xaa: {  	[dreg:$0x4] =	wrdreg $0xC0  }
0xab: {  	_ =	task [dreg:s7], $0x5FFFF  }
0xac: {  	[dreg:$0x1] =	wrdreg $0xFFFFFFFF  }
0xad: {  	[dreg:$0x0] =	wrdreg $0x60  }
0xae: {  	[dreg:$0x2] =	wrdreg s2  }
0xaf: {  	[dreg:$0x3] =	wrdreg s24  }
0xb0: {  	[dreg:$0x4] =	wrdreg $0x9  }
0xb1: {  	_ =	task.clear_ibuf [dreg:s7], $0x5FFFF;
	_ =	strace $0x90000046  }
0xb2: {  	s29 =	simm.s32 $0x9;
	_ =	strace $0x80000048  }
0xb3: {  	_ =	swait.ge [sflag:s29], $0x1  }
0xb4: {  	[sflag:s29] =	ssyncadd.s32 $0xFFFFFFFF  }
0xb5: {  	_ =	strace $0x90000048  }
0xb6: {  	_ =	sfence  }
0xb7: {  	s30 =	sld [smem:$0x0];
	_ =	sdelay $0x2  }
0xb8: {  	s31 =	sshll.u32 s1, $0xD;
	s1 =	sshrl.u32 s1, $0x2  }
0xb9: {  	s3 =	sand.u32 $0x4000, s31;
	s1 =	sadd.s32 s1, s30  }
0xba: {  	s0 =	sor.u32 s3, s0;
	s1 =	sshll.u32 s1, $0x11  }
0xbb: {  	s0 =	sor.u32 s1, s0  }
0xbc: {  	s0 =	sadd.s32 $0x8F2B, s0  }
0xbd: {  	[sflag:s0] =	ssyncadd.remote.s32 $0x1  }
0xbe: {  	_ =	sfence.sel $0xFFFF  }
0xbf: {  	[dreg:$0x0] =	wrdreg $0xFFFFFFFF;
	(pc) =	sbr.abs _section_cstart, $3  }
0xc0: {  	[dreg:$0x1] =	wrdreg $0xFFFFFFFF  }
0xc1: {  	_ =	task.clear_ibuf [dreg:s7], $0x2FFFF;
	_ =	strace $0x9FFFFFFF  }
0xc2: {  	(tm) =	ssettm $0x7FFFFFFF  }
0xc3: {  	_ =	shalt  }
tec
execute0_lowered:
.L_overlay_start_1:
0x0: {  	(tag) =	ssettag $0x1  }
0x1: {  	s0 =	rddreg [dreg:$0x0]  }
0x2: {  	s1 =	rddreg [dreg:$0x1]  }
0x3: {  	s2 =	simm.s32 $0x0;
	s3 =	srdreg.scid;
	s4 =	stileid.u32  }
0x4: {  	s24 =	simm.s32 $0x2;
	s26 =	simm.s32 $0x200;
	s30 =	simm.s32 $0x1  }
0x5: {  	[smem:$0x7FF] =	sst s2;
	s3 =	sand.u32 $0x1, s3;
	s4 =	sshll.u32 s4, $0x7  }
0x6: {  	s7 =	sadd.s32 $0x630, s1;
	s8 =	sadd.s32 $0x640, s1;
	s9 =	sadd.s32 $0x650, s1  }
0x7: {  	s10 =	sadd.s32 $0x660, s1;
	s11 =	sadd.s32 $0x670, s1;
	s12 =	sadd.s32 $0xF4880, s1  }
0x8: {  	s13 =	sadd.s32 $0xF4890, s1;
	s14 =	sadd.s32 $0xF48A0, s1;
	s15 =	sadd.s32 $0xF48B0, s1  }
0x9: {  	s16 =	sadd.s32 $0xF48C0, s1;
	s17 =	sadd.s32 $0xF48D0, s1;
	s18 =	sadd.s32 $0xF48E0, s1  }
0xa: {  	s19 =	sadd.s32 $0xF48F0, s1;
	_ =	strace $0x80000047;
	s5 =	sshll.u32 s3, $0x6  }
0xb: {  	s6 =	ssub.s32 $0x2, s3;
	s3 =	sadd.s32 $0x600, s1;
	s20 =	sor.u32 s5, s4  }
0xc: {  	s31 =	sshrl.u32 s6, $0x1;
	s4 =	sadd.s32 $0x400, s1;
	s5 =	sadd.s32 $0x610, s1  }
0xd: {  	s22 =	sadd.s32 s20, s1;
	s23 =	ssub.s32 s6, s31;
	s6 =	sadd.s32 $0x620, s1  }
0xe: {  	s20 =	sadd.s32 s0, s20;
	s0 =	simm.s32 $0x2820;
	s1 =	simm.s32 $0x0  }
0xf: {  	s21 =	sadd.s32 $0x1E8C00, s22;
	s22 =	sadd.s32 $0x1E9400, s22;
	s23 =	smax.u32 s23, $0x1  }
.LBB2_1:
0x10: {  	[tilespmem:s2], [sflag:$0x2] =	stream.linear.gather [hbm4b:s20+s2], $0x200, $0x38;
	[tilespmem:$0x2A20] =	vst v63  }
0x11: {  	_ =	swait.ge [sflag:s24], $0x200  }
0x12: {  	[sflag:s24] =	ssyncset.done $0x0  }
0x13: {  	s25 =	simm.s32 $0x2400;
	[sflag:s24] =	ssyncadd.s32 $0xFFFFFE00  }
0x14: {  	[tilespmem:s25], [sflag:$0x2] =	stream.linear.gather [hbm4b:s4+s2], $0x220, $0x38;
	[tilespmem:$0x2A20] =	vst v63  }
0x15: {  	_ =	swait.ge [sflag:s24], $0x220  }
0x16: {  	[sflag:s24] =	ssyncset.done $0x0  }
0x17: {  	[sflag:s24] =	ssyncadd.s32 $0xFFFFFDE0  }
0x18: {  	v0 =	vld [tilespmem:$0x0]  }
0x19: {  	v1 =	vld [tilespmem:$0x10]  }
0x1a: {  	v2 =	vld [tilespmem:$0x20];
	_ =	sdelay $0x1  }
0x1b: {  	v3 =	vld [tilespmem:$0x30]  }
0x1c: {  	v5 =	vld [tilespmem:$0x40];
	v4 =	vshll.u32 v0, $0x3  }
0x1d: {  	v7 =	vld [tilespmem:$0x50];
	v0 =	vand.u32 $0x7F, v0;
	v6 =	vshll.u32 v1, $0x3;
	v4 =	vand.u32 $0xFFFFFC00, v4  }
0x1e: {  	v0 =	vor.u32 v0, v4;
	v4 =	vand.u32 $0xFFFFFC00, v6;
	v6 =	vshll.u32 v2, $0x3  }
0x1f: {  	v8 =	vld [tilespmem:$0x60];
	v1 =	vand.u32 $0x7F, v1;
	v2 =	vand.u32 $0x7F, v2;
	v6 =	vand.u32 $0xFFFFFC00, v6  }
0x20: {  	v1 =	vor.u32 v1, v4;
	v4 =	vshll.u32 v3, $0x3;
	v2 =	vor.u32 v2, v6;
	v6 =	vld [tilespmem:$0x70]  }
0x21: {  	v10 =	vld [tilespmem:$0x80];
	v9 =	vshll.u32 v5, $0x3;
	v3 =	vand.u32 $0x7F, v3;
	v4 =	vand.u32 $0xFFFFFC00, v4  }
0x22: {  	v3 =	vor.u32 v3, v4;
	v4 =	vand.u32 $0xFFFFFC00, v9;
	v9 =	vshll.u32 v7, $0x3  }
0x23: {  	v11 =	vld [tilespmem:$0x90];
	v5 =	vand.u32 $0x7F, v5;
	v7 =	vand.u32 $0x7F, v7;
	v9 =	vand.u32 $0xFFFFFC00, v9  }
0x24: {  	v4 =	vor.u32 v5, v4;
	v5 =	vor.u32 v7, v9;
	v7 =	vshll.u32 v8, $0x3;
	v9 =	vld [tilespmem:$0xA0]  }
0x25: {  	v13 =	vld [tilespmem:$0xB0];
	v8 =	vand.u32 $0x7F, v8;
	v7 =	vand.u32 $0xFFFFFC00, v7;
	v12 =	vshll.u32 v6, $0x3  }
0x26: {  	v7 =	vor.u32 v8, v7;
	v8 =	vand.u32 $0xFFFFFC00, v12;
	v12 =	vshll.u32 v10, $0x3  }
0x27: {  	v14 =	vld [tilespmem:$0xC0];
	v6 =	vand.u32 $0x7F, v6;
	v10 =	vand.u32 $0x7F, v10;
	v12 =	vand.u32 $0xFFFFFC00, v12  }
0x28: {  	v15 =	vld [tilespmem:$0xE0];
	[tilespmem:$0x200] =	vst v0;
	v6 =	vor.u32 v6, v8;
	v8 =	vor.u32 v10, v12;
	v10 =	vshll.u32 v11, $0x3  }
0x29: {  	[tilespmem:$0x220] =	vst v2;
	v12 =	vld [tilespmem:$0xD0];
	v2 =	vand.u32 $0x7F, v9;
	v0 =	vand.u32 $0xFFFFFC00, v10;
	v10 =	vand.u32 $0x7F, v11  }
0x2a: {  	[tilespmem:$0x210] =	vst v1;
	v11 =	vshll.u32 v9, $0x3;
	v0 =	vor.u32 v10, v0;
	v10 =	vshll.u32 v13, $0x3  }
0x2b: {  	[tilespmem:$0x230] =	vst v3;
	v1 =	vand.u32 $0xFFFFFC00, v11;
	v11 =	vld [tilespmem:$0xF0];
	v9 =	vand.u32 $0xFFFFFC00, v10;
	v10 =	vand.u32 $0x7F, v13  }
0x2c: {  	v3 =	vshll.u32 v14, $0x3;
	[tilespmem:$0x240] =	vst v4;
	v1 =	vor.u32 v2, v1;
	v2 =	vor.u32 v10, v9;
	v9 =	vld [tilespmem:$0x100]  }
0x2d: {  	v3 =	vand.u32 $0xFFFFFC00, v3;
	v4 =	vand.u32 $0x7F, v14;
	[tilespmem:$0x250] =	vst v5;
	v5 =	vshll.u32 v15, $0x3;
	v13 =	vld [tilespmem:$0x110]  }
0x2e: {  	v3 =	vor.u32 v4, v3;
	v5 =	vand.u32 $0xFFFFFC00, v5;
	[tilespmem:$0x260] =	vst v7;
	v10 =	vshll.u32 v12, $0x3  }
0x2f: {  	[tilespmem:$0x270] =	vst v6;
	v7 =	vand.u32 $0x7F, v12;
	v12 =	vld [tilespmem:$0x120];
	v4 =	vand.u32 $0xFFFFFC00, v10;
	v10 =	vand.u32 $0x7F, v15  }
0x30: {  	[tilespmem:$0x280] =	vst v8;
	v4 =	vor.u32 v7, v4;
	v5 =	vor.u32 v10, v5;
	v6 =	vshll.u32 v11, $0x3;
	v7 =	vld [tilespmem:$0x130]  }
0x31: {  	[tilespmem:$0x290] =	vst v0;
	v8 =	vand.u32 $0x7F, v11;
	v11 =	vld [tilespmem:$0x140];
	v6 =	vand.u32 $0xFFFFFC00, v6;
	v10 =	vshll.u32 v9, $0x3  }
0x32: {  	[tilespmem:$0x2A0] =	vst v1;
	v0 =	vor.u32 v8, v6;
	v8 =	vshll.u32 v13, $0x3;
	v1 =	vand.u32 $0x7F, v9  }
0x33: {  	[tilespmem:$0x2C0] =	vst v3;
	v9 =	vand.u32 $0x7F, v13;
	v6 =	vand.u32 $0xFFFFFC00, v10;
	v8 =	vand.u32 $0xFFFFFC00, v8;
	v10 =	vld [tilespmem:$0x150]  }
0x34: {  	[tilespmem:$0x2B0] =	vst v2;
	v1 =	vor.u32 v1, v6;
	v2 =	vor.u32 v9, v8;
	v6 =	vshll.u32 v12, $0x3;
	v8 =	vld [tilespmem:$0x160]  }
0x35: {  	[tilespmem:$0x2D0] =	vst v4;
	v3 =	vand.u32 $0xFFFFFC00, v6;
	v6 =	vand.u32 $0x7F, v12;
	v9 =	vshll.u32 v7, $0x3;
	v12 =	vld [tilespmem:$0x170]  }
0x36: {  	[tilespmem:$0x2E0] =	vst v5;
	v5 =	vand.u32 $0x7F, v7;
	v3 =	vor.u32 v6, v3;
	v6 =	vshll.u32 v11, $0x3  }
0x37: {  	[tilespmem:$0x2F0] =	vst v0;
	v7 =	vand.u32 $0x7F, v11;
	v4 =	vand.u32 $0xFFFFFC00, v9;
	v9 =	vld [tilespmem:$0x180];
	v6 =	vand.u32 $0xFFFFFC00, v6  }
0x38: {  	[tilespmem:$0x300] =	vst v1;
	v0 =	vor.u32 v5, v4;
	v4 =	vor.u32 v7, v6;
	v5 =	vshll.u32 v10, $0x3;
	v6 =	vld [tilespmem:$0x190]  }
0x39: {  	[tilespmem:$0x310] =	vst v2;
	v1 =	vand.u32 $0xFFFFFC00, v5;
	v5 =	vand.u32 $0x7F, v10;
	v7 =	vshll.u32 v8, $0x3;
	v10 =	vld [tilespmem:$0x1A0]  }
0x3a: {  	[tilespmem:$0x320] =	vst v3;
	v3 =	vand.u32 $0x7F, v8;
	v1 =	vor.u32 v5, v1;
	v5 =	vshll.u32 v12, $0x3  }
0x3b: {  	[tilespmem:$0x330] =	vst v0;
	v8 =	vld [tilespmem:$0x1B0];
	v2 =	vand.u32 $0xFFFFFC00, v7;
	v7 =	vand.u32 $0x7F, v12;
	v5 =	vand.u32 $0xFFFFFC00, v5  }
0x3c: {  	[tilespmem:$0x340] =	vst v4;
	v0 =	vor.u32 v3, v2;
	v3 =	vshll.u32 v9, $0x3;
	v2 =	vor.u32 v7, v5;
	v5 =	vld [tilespmem:$0x1C0]  }
0x3d: {  	v4 =	vand.u32 $0x7F, v9;
	v9 =	vld [tilespmem:$0x1D0];
	[tilespmem:$0x350] =	vst v1;
	v3 =	vand.u32 $0xFFFFFC00, v3;
	v7 =	vshll.u32 v6, $0x3  }
0x3e: {  	[tilespmem:$0x360] =	vst v0;
	v1 =	vor.u32 v4, v3;
	v0 =	vand.u32 $0x7F, v6;
	v4 =	vshll.u32 v10, $0x3  }
0x3f: {  	[tilespmem:$0x370] =	vst v2;
	v3 =	vand.u32 $0xFFFFFC00, v7;
	v6 =	vand.u32 $0x7F, v10;
	v7 =	vld [tilespmem:$0x1E0];
	v4 =	vand.u32 $0xFFFFFC00, v4  }
0x40: {  	[tilespmem:$0x380] =	vst v1;
	v0 =	vor.u32 v0, v3;
	v3 =	vshll.u32 v8, $0x3;
	v2 =	vor.u32 v6, v4;
	v4 =	vld [tilespmem:$0x1F0]  }
0x41: {  	v1 =	vand.u32 $0xFFFFFC00, v3;
	v3 =	vand.u32 $0x7F, v8;
	[tilespmem:$0x390] =	vst v0;
	v6 =	vshll.u32 v5, $0x3  }
0x42: {  	v0 =	vor.u32 v3, v1;
	v3 =	vshll.u32 v9, $0x3;
	[tilespmem:$0x3A0] =	vst v2;
	v2 =	vand.u32 $0x7F, v5  }
0x43: {  	v5 =	vand.u32 $0x7F, v9;
	v1 =	vand.u32 $0xFFFFFC00, v6;
	v3 =	vand.u32 $0xFFFFFC00, v3  }
0x44: {  	[tilespmem:$0x3B0] =	vst v0;
	v0 =	vor.u32 v2, v1;
	v1 =	vor.u32 v5, v3;
	v2 =	vshll.u32 v7, $0x3  }
0x45: {  	[tilespmem:$0x3C0] =	vst v0;
	v0 =	vand.u32 $0xFFFFFC00, v2;
	v2 =	vand.u32 $0x7F, v7;
	v3 =	vshll.u32 v4, $0x3  }
0x46: {  	[tilespmem:$0x3D0] =	vst v1;
	v0 =	vor.u32 v2, v0;
	v2 =	vand.u32 $0x7F, v4;
	v1 =	vand.u32 $0xFFFFFC00, v3  }
0x47: {  	[tilespmem:$0x3E0] =	vst v0;
	v0 =	vor.u32 v2, v1  }
0x48: {  	s25 =	simm.s32 $0x400;
	[tilespmem:$0x3F0] =	vst v0  }
0x49: {  	[tilespmem:s25], [sflag:$0x1] =	stream.indirect.gather [hbm4b:s3+s26], $0x1, s26, s26, $0xb8;
	[tilespmem:$0x2A20] =	vst v63  }
0x4a: {  	s25 =	simm.s32 $0x600  }
0x4b: {  	[tilespmem:s25], [sflag:$0x1] =	stream.indirect.gather [hbm4b:s5+s26], $0x1, s26, s26, $0xb8;
	[tilespmem:$0x2A20] =	vst v63  }
0x4c: {  	s25 =	simm.s32 $0x800  }
0x4d: {  	[tilespmem:s25], [sflag:$0x1] =	stream.indirect.gather [hbm4b:s6+s26], $0x1, s26, s26, $0xb8;
	[tilespmem:$0x2A20] =	vst v63  }
0x4e: {  	s25 =	simm.s32 $0xA00  }
0x4f: {  	[tilespmem:s25], [sflag:$0x1] =	stream.indirect.gather [hbm4b:s7+s26], $0x1, s26, s26, $0xb8;
	[tilespmem:$0x2A20] =	vst v63  }
0x50: {  	s25 =	simm.s32 $0xC00  }
0x51: {  	[tilespmem:s25], [sflag:$0x1] =	stream.indirect.gather [hbm4b:s8+s26], $0x1, s26, s26, $0xb8;
	[tilespmem:$0x2A20] =	vst v63  }
0x52: {  	s25 =	simm.s32 $0xE00  }
0x53: {  	[tilespmem:s25], [sflag:$0x1] =	stream.indirect.gather [hbm4b:s9+s26], $0x1, s26, s26, $0xb8;
	[tilespmem:$0x2A20] =	vst v63  }
0x54: {  	s25 =	simm.s32 $0x1000  }
0x55: {  	[tilespmem:s25], [sflag:$0x1] =	stream.indirect.gather [hbm4b:s10+s26], $0x1, s26, s26, $0xb8;
	[tilespmem:$0x2A20] =	vst v63  }
0x56: {  	s25 =	simm.s32 $0x1200  }
0x57: {  	[tilespmem:s25], [sflag:$0x1] =	stream.indirect.gather [hbm4b:s11+s26], $0x1, s26, s26, $0xb8;
	[tilespmem:$0x2A20] =	vst v63  }
0x58: {  	s25 =	simm.s32 $0x1400  }
0x59: {  	[tilespmem:s25], [sflag:$0x1] =	stream.indirect.gather [hbm4b:s12+s26], $0x1, s26, s26, $0xb8;
	[tilespmem:$0x2A20] =	vst v63  }
0x5a: {  	s25 =	simm.s32 $0x1600  }
0x5b: {  	[tilespmem:s25], [sflag:$0x1] =	stream.indirect.gather [hbm4b:s13+s26], $0x1, s26, s26, $0xb8;
	[tilespmem:$0x2A20] =	vst v63  }
0x5c: {  	s25 =	simm.s32 $0x1800  }
0x5d: {  	[tilespmem:s25], [sflag:$0x1] =	stream.indirect.gather [hbm4b:s14+s26], $0x1, s26, s26, $0xb8;
	[tilespmem:$0x2A20] =	vst v63  }
0x5e: {  	s25 =	simm.s32 $0x1A00  }
0x5f: {  	[tilespmem:s25], [sflag:$0x1] =	stream.indirect.gather [hbm4b:s15+s26], $0x1, s26, s26, $0xb8;
	[tilespmem:$0x2A20] =	vst v63  }
0x60: {  	s25 =	simm.s32 $0x1C00  }
0x61: {  	[tilespmem:s25], [sflag:$0x1] =	stream.indirect.gather [hbm4b:s16+s26], $0x1, s26, s26, $0xb8;
	[tilespmem:$0x2A20] =	vst v63  }
0x62: {  	s25 =	simm.s32 $0x1E00  }
0x63: {  	[tilespmem:s25], [sflag:$0x1] =	stream.indirect.gather [hbm4b:s17+s26], $0x1, s26, s26, $0xb8;
	[tilespmem:$0x2A20] =	vst v63  }
0x64: {  	s25 =	simm.s32 $0x2000  }
0x65: {  	[tilespmem:s25], [sflag:$0x1] =	stream.indirect.gather [hbm4b:s18+s26], $0x1, s26, s26, $0xb8;
	[tilespmem:$0x2A20] =	vst v63  }
0x66: {  	s25 =	simm.s32 $0x2200  }
0x67: {  	[tilespmem:s25], [sflag:$0x1] =	stream.indirect.gather [hbm4b:s19+s26], $0x1, s26, s26, $0xb8;
	[tilespmem:$0x2A20] =	vst v63  }
0x68: {  	_ =	swait.ge [sflag:s30], $0x200  }
0x69: {  	[sflag:s30] =	ssyncset.done $0x0  }
0x6a: {  	[sflag:s30] =	ssyncadd.s32 $0xFFFFFE00  }
0x6b: {  	_ =	swait.ge [sflag:s30], $0x200  }
0x6c: {  	[sflag:s30] =	ssyncset.done $0x0  }
0x6d: {  	[sflag:s30] =	ssyncadd.s32 $0xFFFFFE00  }
0x6e: {  	_ =	swait.ge [sflag:s30], $0x200  }
0x6f: {  	[sflag:s30] =	ssyncset.done $0x0  }
0x70: {  	[sflag:s30] =	ssyncadd.s32 $0xFFFFFE00  }
0x71: {  	_ =	swait.ge [sflag:s30], $0x200  }
0x72: {  	[sflag:s30] =	ssyncset.done $0x0  }
0x73: {  	[sflag:s30] =	ssyncadd.s32 $0xFFFFFE00  }
0x74: {  	_ =	swait.ge [sflag:s30], $0x200  }
0x75: {  	[sflag:s30] =	ssyncset.done $0x0  }
0x76: {  	[sflag:s30] =	ssyncadd.s32 $0xFFFFFE00  }
0x77: {  	_ =	swait.ge [sflag:s30], $0x200  }
0x78: {  	[sflag:s30] =	ssyncset.done $0x0  }
0x79: {  	[sflag:s30] =	ssyncadd.s32 $0xFFFFFE00  }
0x7a: {  	_ =	swait.ge [sflag:s30], $0x200  }
0x7b: {  	[sflag:s30] =	ssyncset.done $0x0  }
0x7c: {  	[sflag:s30] =	ssyncadd.s32 $0xFFFFFE00  }
0x7d: {  	_ =	swait.ge [sflag:s30], $0x200  }
0x7e: {  	[sflag:s30] =	ssyncset.done $0x0  }
0x7f: {  	[sflag:s30] =	ssyncadd.s32 $0xFFFFFE00  }
0x80: {  	_ =	swait.ge [sflag:s30], $0x200  }
0x81: {  	[sflag:s30] =	ssyncset.done $0x0  }
0x82: {  	[sflag:s30] =	ssyncadd.s32 $0xFFFFFE00  }
0x83: {  	_ =	swait.ge [sflag:s30], $0x200  }
0x84: {  	[sflag:s30] =	ssyncset.done $0x0  }
0x85: {  	[sflag:s30] =	ssyncadd.s32 $0xFFFFFE00  }
0x86: {  	_ =	swait.ge [sflag:s30], $0x200  }
0x87: {  	[sflag:s30] =	ssyncset.done $0x0  }
0x88: {  	[sflag:s30] =	ssyncadd.s32 $0xFFFFFE00  }
0x89: {  	_ =	swait.ge [sflag:s30], $0x200  }
0x8a: {  	[sflag:s30] =	ssyncset.done $0x0  }
0x8b: {  	[sflag:s30] =	ssyncadd.s32 $0xFFFFFE00  }
0x8c: {  	_ =	swait.ge [sflag:s30], $0x200  }
0x8d: {  	[sflag:s30] =	ssyncset.done $0x0  }
0x8e: {  	[sflag:s30] =	ssyncadd.s32 $0xFFFFFE00  }
0x8f: {  	_ =	swait.ge [sflag:s30], $0x200  }
0x90: {  	[sflag:s30] =	ssyncset.done $0x0  }
0x91: {  	[sflag:s30] =	ssyncadd.s32 $0xFFFFFE00  }
0x92: {  	_ =	swait.ge [sflag:s30], $0x200  }
0x93: {  	[sflag:s30] =	ssyncset.done $0x0  }
0x94: {  	[sflag:s30] =	ssyncadd.s32 $0xFFFFFE00  }
0x95: {  	_ =	swait.ge [sflag:s30], $0x200  }
0x96: {  	[sflag:s30] =	ssyncset.done $0x0  }
0x97: {  	[sflag:s30] =	ssyncadd.s32 $0xFFFFFE00  }
0x98: {  	v26 =	vld [tilespmem:$0x2400]  }
0x99: {  	v27 =	vld [tilespmem:$0x2410]  }
0x9a: {  	v24 =	vld [tilespmem:$0x2420]  }
0x9b: {  	v25 =	vld [tilespmem:$0x2430]  }
0x9c: {  	v22 =	vld [tilespmem:$0x2440]  }
0x9d: {  	v23 =	vld [tilespmem:$0x2450]  }
0x9e: {  	v20 =	vld [tilespmem:$0x2460]  }
0x9f: {  	v21 =	vld [tilespmem:$0x2470]  }
0xa0: {  	v18 =	vld [tilespmem:$0x2480]  }
0xa1: {  	v19 =	vld [tilespmem:$0x2490]  }
0xa2: {  	v15 =	vld [tilespmem:$0x24A0]  }
0xa3: {  	v17 =	vld [tilespmem:$0x24B0]  }
0xa4: {  	v12 =	vld [tilespmem:$0x24C0]  }
0xa5: {  	v13 =	vld [tilespmem:$0x24D0]  }
0xa6: {  	v7 =	vld [tilespmem:$0x24E0]  }
0xa7: {  	v8 =	vld [tilespmem:$0x24F0]  }
0xa8: {  	v3 =	vld [tilespmem:$0x2500]  }
0xa9: {  	v5 =	vld [tilespmem:$0x2510]  }
0xaa: {  	v0 =	vld [tilespmem:$0x2520]  }
0xab: {  	s28 =	simm.s32 $0x0;
	v1 =	vld [tilespmem:$0x2530]  }
0xac: {  	v4 =	vld [tilespmem:s28+$0x400]  }
0xad: {  	v29 =	vld [tilespmem:$0x2610]  }
0xae: {  	v9 =	vld [tilespmem:s28+$0x600]  }
0xaf: {  	v28 =	vld [tilespmem:$0x2600]  }
0xb0: {  	v10 =	vld [tilespmem:s28+$0x800]  }
0xb1: {  	v2 =	vld [tilespmem:$0x2540];
	v11 =	vmul.f32 v4, v27  }
0xb2: {  	v14 =	vld [tilespmem:s28+$0xA00];
	v4 =	vmul.f32 v4, v26  }
0xb3: {  	v6 =	vld [tilespmem:$0x2550];
	v16 =	vmul.f32 v9, v25;
	v11 =	vadd.f32 v11, v29  }
0xb4: {  	v31 =	vld [tilespmem:s28+$0xC00];
	v9 =	vmul.f32 v9, v24;
	v30 =	vadd.f32 v4, v28  }
0xb5: {  	v32 =	vld [tilespmem:s28+$0xE00];
	v11 =	vadd.f32 v16, v11;
	v16 =	vmul.f32 v10, v23  }
0xb6: {  	v33 =	vld [tilespmem:s28+$0x1000];
	v30 =	vadd.f32 v9, v30;
	v10 =	vmul.f32 v10, v22  }
0xb7: {  	v35 =	vld [tilespmem:s28+$0x1400];
	v11 =	vadd.f32 v16, v11;
	v16 =	vmul.f32 v14, v21  }
0xb8: {  	v54 =	vld [tilespmem:s28+$0x1600];
	v30 =	vadd.f32 v10, v30;
	v14 =	vmul.f32 v14, v20  }
0xb9: {  	v56 =	vld [tilespmem:s28+$0x1800];
	v34 =	vmul.f32 v31, v19;
	v16 =	vadd.f32 v16, v11  }
0xba: {  	v14 =	vadd.f32 v14, v30;
	v30 =	vmul.f32 v31, v18;
	v31 =	vld [tilespmem:s28+$0x1200]  }
0xbb: {  	s25 =	simm.s32 $0x10;
	v37 =	vld [tilespmem:s28+$0x1A00];
	v53 =	vmul.f32 v32, v17;
	v16 =	vadd.f32 v34, v16  }
0xbc: {  	v38 =	vld [tilespmem:s25+$0x400];
	v32 =	vmul.f32 v32, v15  }
0xbd: {  	v39 =	vld [tilespmem:s25+$0x600];
	v36 =	vmul.f32 v33, v13;
	v30 =	vadd.f32 v30, v14;
	v34 =	vadd.f32 v53, v16  }
0xbe: {  	v40 =	vld [tilespmem:s25+$0x800];
	v33 =	vmul.f32 v33, v12;
	v57 =	vmul.f32 v35, v5  }
0xbf: {  	v42 =	vld [tilespmem:s28+$0x2000];
	v30 =	vadd.f32 v32, v30;
	v55 =	vmul.f32 v31, v8;
	v34 =	vadd.f32 v36, v34  }
0xc0: {  	v63 =	vld [tilespmem:s25+$0xA00];
	v35 =	vmul.f32 v35, v3;
	v58 =	vmul.f32 v54, v1  }
0xc1: {  	v9 =	vld [tilespmem:$0x2570];
	v31 =	vmul.f32 v31, v7;
	v30 =	vadd.f32 v33, v30;
	v34 =	vadd.f32 v55, v34  }
0xc2: {  	v59 =	vmul.f32 v56, v6;
	v41 =	vmul.f32 v38, v27;
	v4 =	vld [tilespmem:$0x2560]  }
0xc3: {  	v62 =	vmul.f32 v38, v26;
	v10 =	vld [tilespmem:$0x2590];
	v30 =	vadd.f32 v31, v30;
	v31 =	vadd.f32 v57, v34  }
0xc4: {  	v43 =	vmul.f32 v39, v25;
	v39 =	vmul.f32 v39, v24;
	v36 =	vld [tilespmem:s28+$0x1C00]  }
0xc5: {  	v11 =	vld [tilespmem:$0x25B0];
	v32 =	vmul.f32 v54, v0;
	v30 =	vadd.f32 v35, v30;
	v31 =	vadd.f32 v58, v31  }
0xc6: {  	v48 =	vmul.f32 v40, v23;
	v41 =	vadd.f32 v41, v29;
	v61 =	vmul.f32 v37, v9;
	v35 =	vld [tilespmem:s28+$0x1E00]  }
0xc7: {  	v44 =	vld [tilespmem:s25+$0xC00];
	v33 =	vmul.f32 v56, v2;
	v30 =	vadd.f32 v32, v30;
	v31 =	vadd.f32 v59, v31  }
0xc8: {  	v41 =	vadd.f32 v43, v41;
	v60 =	vmul.f32 v37, v4;
	v37 =	vadd.f32 v62, v28;
	v14 =	vld [tilespmem:$0x25D0]  }
0xc9: {  	v16 =	vld [tilespmem:$0x25F0];
	v33 =	vadd.f32 v33, v30;
	v30 =	vmul.f32 v36, v10;
	v31 =	vadd.f32 v61, v31  }
0xca: {  	v49 =	vmul.f32 v40, v22;
	v51 =	vmul.f32 v63, v21;
	v37 =	vadd.f32 v39, v37;
	v34 =	vld [tilespmem:s28+$0x2200]  }
0xcb: {  	v41 =	vadd.f32 v48, v41;
	v45 =	vmul.f32 v35, v11;
	v31 =	vadd.f32 v30, v31  }
0xcc: {  	v50 =	vld [tilespmem:s25+$0xE00];
	v38 =	vmul.f32 v63, v20;
	v37 =	vadd.f32 v49, v37  }
0xcd: {  	v41 =	vadd.f32 v51, v41;
	v46 =	vmul.f32 v42, v14;
	v30 =	vld [tilespmem:$0x2580];
	v45 =	vadd.f32 v45, v31  }
0xce: {  	v52 =	vld [tilespmem:s25+$0x1000];
	v53 =	vmul.f32 v44, v19;
	v54 =	vmul.f32 v44, v18;
	v37 =	vadd.f32 v38, v37  }
0xcf: {  	v47 =	vmul.f32 v34, v16;
	v31 =	vld [tilespmem:$0x25A0];
	v45 =	vadd.f32 v46, v45  }
0xd0: {  	v41 =	vadd.f32 v53, v41;
	v55 =	vld [tilespmem:s25+$0x1200];
	v37 =	vadd.f32 v54, v37  }
0xd1: {  	v57 =	vmul.f32 v50, v17;
	v32 =	vld [tilespmem:$0x25C0];
	v58 =	vmul.f32 v50, v15;
	v45 =	vadd.f32 v47, v45  }
0xd2: {  	v59 =	vld [tilespmem:s25+$0x1400];
	v56 =	vadd.f32 v60, v33;
	v36 =	vmul.f32 v36, v30  }
0xd3: {  	v39 =	vmul.f32 v52, v13;
	v62 =	vadd.f32 v58, v37;
	v33 =	vld [tilespmem:$0x25E0];
	v60 =	vadd.f32 v57, v41;
	[tilespmem:s28+$0x2820] =	vst v45  }
0xd4: {  	v61 =	vmul.f32 v52, v12;
	v63 =	vadd.f32 v36, v56;
	v35 =	vmul.f32 v35, v31;
	v37 =	vld [tilespmem:s25+$0x1600]  }
0xd5: {  	v38 =	vmul.f32 v55, v7;
	v44 =	vmul.f32 v55, v8;
	v39 =	vadd.f32 v39, v60  }
0xd6: {  	v42 =	vmul.f32 v42, v32;
	v40 =	vadd.f32 v61, v62;
	v36 =	vld [tilespmem:s25+$0x1800];
	v41 =	vadd.f32 v35, v63  }
0xd7: {  	s29 =	simm.s32 $0x20;
	s31 =	simm.s32 $0xC0;
	v43 =	vadd.f32 v44, v39;
	v39 =	vmul.f32 v59, v3;
	v44 =	vmul.f32 v59, v5;
	v35 =	vld [tilespmem:s25+$0x1A00]  }
.LBB2_2:
0xd8: {  	p0 =	sne.s32 s31, $0x7C0;
	v45 =	vld [tilespmem:s29+$0x400];
	v38 =	vadd.f32 v38, v40;
	v40 =	vadd.f32 v42, v41;
	v34 =	vmul.f32 v34, v33  }
0xd9: {  	v41 =	vadd.f32 v44, v43;
	v42 =	vmul.f32 v37, v0;
	v37 =	vmul.f32 v37, v1;
	v43 =	vld [tilespmem:s25+$0x1C00]  }
0xda: {  	v44 =	vld [tilespmem:s29+$0x600];
	v38 =	vadd.f32 v39, v38;
	v34 =	vadd.f32 v34, v40  }
0xdb: {  	v37 =	vadd.f32 v37, v41;
	v39 =	vmul.f32 v36, v2;
	v36 =	vmul.f32 v36, v6;
	v40 =	vld [tilespmem:s25+$0x1E00]  }
0xdc: {  	v41 =	vld [tilespmem:s29+$0x800];
	v38 =	vadd.f32 v42, v38;
	v42 =	vmul.f32 v35, v4;
	[tilespmem:s28+$0x2620] =	vst v34;
	s28 =	smov.u32 s25;
	s25 =	smov.u32 s29  }
0xdd: {  	v35 =	vmul.f32 v35, v9;
	v34 =	vmul.f32 v45, v27;
	v36 =	vadd.f32 v36, v37;
	v46 =	vld [tilespmem:s28+$0x2000]  }
0xde: {  	v37 =	vmul.f32 v45, v26;
	v45 =	vld [tilespmem:s25+$0xA00];
	v38 =	vadd.f32 v39, v38;
	v39 =	vmul.f32 v43, v10  }
0xdf: {  	v47 =	vadd.f32 v34, v29;
	v48 =	vmul.f32 v44, v25;
	v35 =	vadd.f32 v35, v36;
	v34 =	vld [tilespmem:s28+$0x2200]  }
0xe0: {  	v36 =	vadd.f32 v37, v28;
	v37 =	vmul.f32 v44, v24;
	v44 =	vld [tilespmem:s25+$0xC00];
	v49 =	vmul.f32 v40, v11  }
0xe1: {  	v47 =	vadd.f32 v48, v47;
	v48 =	vmul.f32 v41, v23;
	v35 =	vadd.f32 v39, v35  }
0xe2: {  	v36 =	vadd.f32 v37, v36;
	v37 =	vmul.f32 v41, v22;
	v39 =	vld [tilespmem:s25+$0xE00];
	v41 =	vmul.f32 v46, v14  }
0xe3: {  	v47 =	vadd.f32 v48, v47;
	v48 =	vmul.f32 v45, v21;
	v35 =	vadd.f32 v49, v35  }
0xe4: {  	v36 =	vadd.f32 v37, v36;
	v37 =	vmul.f32 v45, v20;
	v45 =	vld [tilespmem:s25+$0x1000];
	v49 =	vmul.f32 v34, v16  }
0xe5: {  	v47 =	vadd.f32 v48, v47;
	v48 =	vmul.f32 v44, v19;
	v35 =	vadd.f32 v41, v35  }
0xe6: {  	v38 =	vadd.f32 v42, v38;
	v36 =	vadd.f32 v37, v36;
	v37 =	vmul.f32 v44, v18;
	v41 =	vld [tilespmem:s25+$0x1200]  }
0xe7: {  	v42 =	vadd.f32 v48, v47;
	v44 =	vmul.f32 v39, v17;
	v35 =	vadd.f32 v49, v35  }
0xe8: {  	v36 =	vadd.f32 v37, v36;
	v37 =	vmul.f32 v39, v15;
	v39 =	vmul.f32 v43, v30;
	v47 =	vld [tilespmem:s25+$0x1400]  }
.Ltmp0:
0xe9: {  	v42 =	vadd.f32 v44, v42;
	v43 =	vmul.f32 v45, v12;
	v44 =	vmul.f32 v45, v13;
	[tilespmem:s28+$0x2820] =	vst v35;
	(pc) =	sbr.rel @p0 .LBB2_2-.Ltmp0, $4  }
0xea: {  	v35 =	vadd.f32 v37, v36;
	v39 =	vadd.f32 v39, v38;
	v45 =	vmul.f32 v40, v31;
	v37 =	vld [tilespmem:s25+$0x1600]  }
0xeb: {  	v44 =	vadd.f32 v44, v42;
	v38 =	vmul.f32 v41, v7;
	v48 =	vmul.f32 v41, v8  }
0xec: {  	v40 =	vadd.f32 v43, v35;
	v41 =	vadd.f32 v45, v39;
	v42 =	vmul.f32 v46, v32;
	v36 =	vld [tilespmem:s25+$0x1800]  }
0xed: {  	s29 =	sshra.s32 s31, $0x2;
	s31 =	sadd.s32 $0x40, s31;
	v43 =	vadd.f32 v48, v44;
	v39 =	vmul.f32 v47, v3;
	v44 =	vmul.f32 v47, v5;
	v35 =	vld [tilespmem:s25+$0x1A00]  }
0xee: {  	v45 =	vld [tilespmem:s29+$0x400];
	v54 =	vadd.f32 v42, v41;
	v34 =	vmul.f32 v34, v33  }
0xef: {  	v41 =	vld [tilespmem:s25+$0x1C00];
	v55 =	vadd.f32 v44, v43;
	v56 =	vmul.f32 v37, v1  }
0xf0: {  	v38 =	vadd.f32 v38, v40;
	v57 =	vld [tilespmem:s29+$0x600];
	v34 =	vadd.f32 v34, v54  }
0xf1: {  	v61 =	vld [tilespmem:s29+$0x800];
	v58 =	vmul.f32 v37, v0;
	v59 =	vadd.f32 v56, v55;
	v60 =	vmul.f32 v36, v6  }
0xf2: {  	v38 =	vadd.f32 v39, v38;
	v39 =	vld [tilespmem:s25+$0x1E00];
	v62 =	vmul.f32 v36, v2;
	v63 =	vmul.f32 v35, v4;
	[tilespmem:s28+$0x2620] =	vst v34  }
0xf3: {  	v47 =	vmul.f32 v35, v9;
	v27 =	vmul.f32 v45, v27;
	v46 =	vadd.f32 v60, v59;
	v48 =	vld [tilespmem:s25+$0x2000]  }
0xf4: {  	v37 =	vadd.f32 v58, v38;
	v26 =	vmul.f32 v45, v26;
	v49 =	vld [tilespmem:s29+$0xA00];
	v50 =	vmul.f32 v41, v10  }
0xf5: {  	v25 =	vmul.f32 v57, v25;
	v52 =	vld [tilespmem:s25+$0x2200];
	v27 =	vadd.f32 v27, v29;
	v51 =	vadd.f32 v47, v46  }
0xf6: {  	v24 =	vmul.f32 v57, v24;
	v53 =	vld [tilespmem:s29+$0xC00];
	v23 =	vmul.f32 v61, v23;
	v26 =	vadd.f32 v26, v28  }
0xf7: {  	v54 =	vmul.f32 v39, v11;
	v25 =	vadd.f32 v25, v27;
	v55 =	vadd.f32 v50, v51  }
0xf8: {  	v22 =	vmul.f32 v61, v22;
	v56 =	vld [tilespmem:s29+$0xE00];
	v24 =	vadd.f32 v24, v26;
	v57 =	vmul.f32 v48, v14  }
0xf9: {  	v21 =	vmul.f32 v49, v21;
	v23 =	vadd.f32 v23, v25;
	v58 =	vadd.f32 v54, v55  }
0xfa: {  	v59 =	vld [tilespmem:s29+$0x1000];
	v20 =	vmul.f32 v49, v20;
	v60 =	vmul.f32 v52, v16;
	v22 =	vadd.f32 v22, v24  }
0xfb: {  	v19 =	vmul.f32 v53, v19;
	v21 =	vadd.f32 v21, v23;
	v61 =	vadd.f32 v57, v58  }
0xfc: {  	v36 =	vadd.f32 v62, v37;
	v62 =	vld [tilespmem:s29+$0x1200];
	v18 =	vmul.f32 v53, v18;
	v20 =	vadd.f32 v20, v22  }
0xfd: {  	v17 =	vmul.f32 v56, v17;
	v19 =	vadd.f32 v19, v21;
	v27 =	vadd.f32 v60, v61  }
0xfe: {  	v28 =	vld [tilespmem:s29+$0x1400];
	v29 =	vmul.f32 v41, v30;
	v15 =	vmul.f32 v56, v15;
	v18 =	vadd.f32 v18, v20  }
0xff: {  	v63 =	vadd.f32 v63, v36;
	v13 =	vmul.f32 v59, v13;
	v17 =	vadd.f32 v17, v19;
	[tilespmem:s25+$0x2820] =	vst v27  }
0x100: {  	v37 =	vmul.f32 v39, v31;
	v12 =	vmul.f32 v59, v12;
	v15 =	vadd.f32 v15, v18;
	v35 =	vld [tilespmem:s29+$0x1600]  }
0x101: {  	v36 =	vadd.f32 v29, v63;
	v8 =	vmul.f32 v62, v8;
	v13 =	vadd.f32 v13, v17  }
0x102: {  	v41 =	vmul.f32 v48, v32;
	v7 =	vmul.f32 v62, v7;
	v38 =	vld [tilespmem:s29+$0x1800];
	v12 =	vadd.f32 v12, v15  }
0x103: {  	v39 =	vadd.f32 v37, v36;
	v5 =	vmul.f32 v28, v5;
	v8 =	vadd.f32 v8, v13  }
0x104: {  	v44 =	vmul.f32 v52, v33;
	v3 =	vmul.f32 v28, v3;
	v42 =	vld [tilespmem:s29+$0x1A00];
	v7 =	vadd.f32 v7, v12  }
0x105: {  	v43 =	vadd.f32 v41, v39;
	v5 =	vadd.f32 v5, v8;
	v45 =	vmul.f32 v35, v1  }
0x106: {  	v47 =	vld [tilespmem:s29+$0x1C00];
	v46 =	vmul.f32 v35, v0;
	v3 =	vadd.f32 v3, v7  }
0x107: {  	v48 =	vadd.f32 v44, v43;
	v49 =	vmul.f32 v38, v6;
	v1 =	vadd.f32 v45, v5  }
0x108: {  	v51 =	vld [tilespmem:s29+$0x1E00];
	v50 =	vmul.f32 v38, v2;
	v0 =	vadd.f32 v46, v3  }
0x109: {  	[tilespmem:s25+$0x2620] =	vst v48;
	v52 =	vmul.f32 v42, v9;
	v1 =	vadd.f32 v49, v1  }
0x10a: {  	v54 =	vld [tilespmem:s29+$0x2000];
	v53 =	vmul.f32 v42, v4;
	v0 =	vadd.f32 v50, v0  }
0x10b: {  	v55 =	vmul.f32 v47, v10;
	v1 =	vadd.f32 v52, v1  }
0x10c: {  	v56 =	vld [tilespmem:s29+$0x2200];
	v57 =	vmul.f32 v47, v30;
	v0 =	vadd.f32 v53, v0  }
0x10d: {  	v58 =	vmul.f32 v51, v11;
	v1 =	vadd.f32 v55, v1  }
0x10e: {  	v59 =	vmul.f32 v51, v31;
	v0 =	vadd.f32 v57, v0  }
0x10f: {  	v60 =	vmul.f32 v54, v14;
	v1 =	vadd.f32 v58, v1  }
0x110: {  	v61 =	vmul.f32 v54, v32;
	v0 =	vadd.f32 v59, v0  }
0x111: {  	v62 =	vmul.f32 v56, v16;
	v1 =	vadd.f32 v60, v1  }
0x112: {  	v63 =	vmul.f32 v56, v33;
	v0 =	vadd.f32 v61, v0  }
0x113: {  	v1 =	vadd.f32 v62, v1  }
0x114: {  	v0 =	vadd.f32 v63, v0  }
0x115: {  	[tilespmem:s29+$0x2820] =	vst v1  }
0x116: {  	s31 =	simm.s32 $0x2620;
	[tilespmem:s29+$0x2620] =	vst v0  }
0x117: {  	[hbm4b:s21+s2] =	stream.linear.scatter [tilespmem:s31], [sflag:$0x2], $0x200, $0x38;
	[tilespmem:$0x2A20] =	vst v63  }
0x118: {  	s1 =	sadd.s32 $0x1, s1;
	_ =	swait.ge [sflag:s24], $0x200  }
0x119: {  	p0 =	sne.s32 s1, s23;
	[sflag:s24] =	ssyncset.done $0x0  }
.Ltmp1:
0x11a: {  	[sflag:s24] =	ssyncadd.s32 $0xFFFFFE00;
	(pc) =	sbr.rel @p0 .LBB2_1-.Ltmp1, $4  }
0x11b: {  	[hbm4b:s22+s2] =	stream.linear.scatter [tilespmem:s0], [sflag:$0x2], $0x200, $0x38;
	[tilespmem:$0x2A20] =	vst v63  }
0x11c: {  	_ =	swait.ge [sflag:s24], $0x200  }
0x11d: {  	[sflag:s24] =	ssyncset.done $0x0  }
0x11e: {  	[sflag:s24] =	ssyncadd.s32 $0xFFFFFE00  }
0x11f: {  	_ =	sfence.sel $0x180000  }
0x120: {  	[bflag:$0x0] =	sbarrier.arrive $0xFFFF  }
0x121: {  	_ =	strace $0x90000047  }
0x122: {  	s0 =	stileid.u32;
	[bflag:$0x2] =	sbarrier.arrive $0xFFFF  }
0x123: {  	p0 =	sne.s32 s0, $0x0;
	s0 =	rddreg [dreg:$0x2]  }
0x124: {  	s0 =	sadd.s32 @!p0 $0x100000, s0  }
0x125: {  	[sflag:s0] =	ssyncadd.tile.s32 @!p0 $0x1;
	_ =	shalt  }
.Lfunc_end2:
_tile_overlayer_lowered:
.L_overlay_start_2:
0x126: {  	(tag) =	ssettag $0x2  }
0x127: {  	s0 =	rddreg [dreg:$0x0];
	s2 =	stileid.u32  }
0x128: {  	s1 =	rddreg [dreg:$0x1];
	p0 =	sne.s32 s2, $0x0  }
0x129: {  	s3 =	rddreg [dreg:$0x2];
	[bflag:$0x3] =	sbarrier.arrive $0xFFFF;
	s2 =	simm.s32 @!p0 $0x1C02  }
0x12a: {  	[timem:s3], [sflag:s2] =	dma.local @!p0 [hbm:s0], s1  }
0x12b: {  	s0 =	simm.s32 @!p0 $0x2  }
0x12c: {  	_ =	swait.ge @!p0 [sflag:s0], s1  }
0x12d: {  	s1 =	ssub.s32 @!p0 $0x0, s1;
	[sflag:s0] =	ssyncset.done @!p0 $0x0  }
0x12e: {  	[sflag:s0] =	ssyncadd.s32 @!p0 s1  }
0x12f: {  	[bflag:$0x3] =	sbarrier.arrive $0xFFFF  }
0x130: {  	_ =	shalt  }

</sc_bundles>
